<compile_context>
chip_gen: v7x
topology: tpu7x:2x2x1
jax: 0.10.2.dev20260603
libtpu: 0.0.44.dev20260713+nightly
codegen_flags: <defaults>
</compile_context>

<pallas_src>
import functools

import jax
import jax.numpy as jnp
from jax import lax
from jax.experimental import pallas as pl
from jax.experimental.pallas import tpu as pltpu
from jax.experimental.pallas import tpu_sc as plsc

N_NODES = 10000
N_EDGES = 320000
D_FEAT = 128
NUM_GCN_LAYERS = 3

NC = 2
NS = 16
NW = NC * NS
COLS = D_FEAT // NW
PAIRS = COLS // 2
CHUNK = 8000
NCHUNKS = N_EDGES // CHUNK
NBUF = 2
L = 16


def _fused_body(xT_hbm, enc_hbm, w_hbm, out_hbm,
                pk_v, acc_v, enc_v, w_v, dsem):
    c = lax.axis_index("c")
    s = lax.axis_index("s")
    wid = c * NS + s
    col0 = wid * COLS

    for cc in range(COLS):
        pltpu.sync_copy(xT_hbm.at[col0 + cc],
                        acc_v.at[pl.ds(cc * N_NODES, N_NODES)])

    zeros = jnp.zeros((L,), jnp.float32)
    half = jnp.int32(0x8000)
    himask = jnp.int32(-0x10000)

    def pack_and_zero():
        @plsc.parallel_loop(0, N_NODES // L, unroll=4)
        def _pack(i):
            off = i * L
            for p in range(PAIRS):
                a = acc_v[pl.ds((2 * p) * N_NODES + off, L)]
                b = acc_v[pl.ds((2 * p + 1) * N_NODES + off, L)]
                ai = plsc.bitcast(a, jnp.int32) + half
                bi = plsc.bitcast(b, jnp.int32) + half
                word = lax.bitwise_or(
                    lax.shift_right_logical(ai, jnp.int32(16)),
                    lax.bitwise_and(bi, himask))
                pk_v[pl.ds(p * N_NODES + off, L)] = word

        @plsc.parallel_loop(0, COLS * N_NODES // L, unroll=8)
        def _zero(i):
            acc_v[pl.ds(i * L, L)] = zeros

    pack_and_zero()

    def edge_dmas(k, b):
        base = k * CHUNK
        boff = b * CHUNK
        return (
            pltpu.make_async_copy(enc_hbm.at[pl.ds(base, CHUNK)],
                                  enc_v.at[pl.ds(boff, CHUNK)], dsem),
            pltpu.make_async_copy(w_hbm.at[pl.ds(base, CHUNK)],
                                  w_v.at[pl.ds(boff, CHUNK)], dsem),
        )

    def start(k, b):
        for d in edge_dmas(k, b):
            d.start()

    def drain(k, b):
        for d in edge_dmas(k, b):
            d.wait()

    start(0, 0)
    for layer in range(NUM_GCN_LAYERS):

        def chunk_body(k, carry):
            b = lax.rem(k, NBUF)
            drain(k, b)

            @pl.when(k + 1 < NCHUNKS)
            def _():
                start(k + 1, (NBUF - 1) - b)

            boff = b * CHUNK

            @plsc.parallel_loop(0, CHUNK // L, unroll=4)
            def _grp(j):
                off = boff + j * L
                e16 = enc_v[pl.ds(off, L)]
                w16 = w_v[pl.ds(off, L)]
                s16 = lax.bitwise_and(e16, jnp.int32(0xFFFF))
                d16 = lax.shift_right_logical(e16, jnp.int32(16))
                for p in range(PAIRS):
                    g = plsc.load_gather(pk_v, [s16 + (p * N_NODES)])
                    vlo = plsc.bitcast(lax.shift_left(g, jnp.int32(16)),
                                       jnp.float32)
                    vhi = plsc.bitcast(lax.bitwise_and(g, himask),
                                       jnp.float32)
                    plsc.addupdate_scatter(
                        acc_v, [d16 + ((2 * p) * N_NODES)], vlo * w16)
                    plsc.addupdate_scatter(
                        acc_v, [d16 + ((2 * p + 1) * N_NODES)], vhi * w16)

            return carry

        lax.fori_loop(0, NCHUNKS, chunk_body, 0)

        if layer < NUM_GCN_LAYERS - 1:
            start(0, 0)
            pack_and_zero()

    for cc in range(COLS):
        pltpu.sync_copy(acc_v.at[pl.ds(cc * N_NODES, N_NODES)],
                        out_hbm.at[col0 + cc])


_fused = functools.partial(
    pl.kernel,
    out_type=jax.ShapeDtypeStruct((D_FEAT, N_NODES), jnp.float32),
    mesh=plsc.VectorSubcoreMesh(core_axis_name="c", subcore_axis_name="s",
                                num_cores=NC, num_subcores=NS),
    compiler_params=pltpu.CompilerParams(needs_layout_passes=False,
                                         use_tc_tiling_on_sc=False),
    scratch_types=[
        pltpu.VMEM((PAIRS * N_NODES,), jnp.int32),
        pltpu.VMEM((COLS * N_NODES,), jnp.float32),
        pltpu.VMEM((NBUF * CHUNK,), jnp.int32),
        pltpu.VMEM((NBUF * CHUNK,), jnp.float32),
        pltpu.SemaphoreType.DMA,
    ],
)(_fused_body)


def kernel(x, edge_index, edge_weight):
    dst = edge_index[0].astype(jnp.int32)
    src = edge_index[1].astype(jnp.int32)
    enc = (dst << jnp.int32(16)) | src
    w = edge_weight.astype(jnp.float32)
    return _fused(x.T, enc, w).T

# --- scband reference (transcript-rebuilt; emitter-appended) ---
"""Pipeline reference for scband-stack-gcns-23115513987505 (READ-ONLY COPY).

The authoritative reference and input builder live on the scoring server;
editing this copy changes nothing except your own understanding.
"""

import jax, jax.numpy as jnp
import numpy as np

N_NODES = 10000
N_EDGES = 320000
D_FEAT = 128
NUM_LAYERS = 4
NUM_GCN_LAYERS = NUM_LAYERS - 1


def setup_inputs(seed: int = 0) -> dict:
    key = jax.random.key(seed)
    k1, k2, k3 = jax.random.split(key, 3)
    x = jax.random.normal(k1, (N_NODES, D_FEAT), dtype=jnp.float32)
    edge_index = jax.random.randint(k2, (2, N_EDGES), 0, N_NODES, dtype=jnp.int64)
    edge_weight = jax.random.uniform(k3, (N_EDGES,), dtype=jnp.float32)
    return {"x": x, "edge_index": edge_index, "edge_weight": edge_weight}


def _spmm(edge_index, edge_weight, x):
    # torch.spmm(adj, x): out[row] += adj[row, col] * x[col]
    dst = edge_index[0]
    src = edge_index[1]
    msgs = jnp.take(x, src, axis=0) * edge_weight[:, None]
    return jax.ops.segment_sum(msgs, dst, num_segments=N_NODES)


def reference(x, edge_index, edge_weight):
    # StackGCNs.plainGCN: repeated spmm, return last layer output
    output = [x]
    for i in range(NUM_GCN_LAYERS):
        output.append(_spmm(edge_index, edge_weight, output[i]))
    return output[-1]

if __name__ == "__main__":
    import jax
    _d = setup_inputs()
    print(jax.jit(kernel)(*tuple(_d.values())))

</pallas_src>

<mosaic_0001>
#map = affine_map<(d0, d1) -> (0, 0)>
#map1 = affine_map<(d0, d1) -> (0)>
module attributes {stable_mosaic.version = 14 : i64} {
  func.func @_fused_body(%arg0: i32, %arg1: i32, %arg2: memref<128x10000xf32, #tpu.memory_space<hbm>>, %arg3: memref<320000xi32, #tpu.memory_space<hbm>>, %arg4: memref<320000xf32, #tpu.memory_space<hbm>>, %arg5: memref<128x10000xf32, #tpu.memory_space<hbm>>, %arg6: memref<20000xi32, #tpu.memory_space<vmem>>, %arg7: memref<40000xf32, #tpu.memory_space<vmem>>, %arg8: memref<16000xi32, #tpu.memory_space<vmem>>, %arg9: memref<16000xf32, #tpu.memory_space<vmem>>, %arg10: memref<!tpu.dma_semaphore, #tpu.memory_space<semaphore_mem>>) attributes {dimension_semantics = [#tpu.dimension_semantics<core_parallel>, #tpu.dimension_semantics<subcore_parallel>], iteration_bounds = array<i64: 2, 16>, scalar_prefetch = 0 : i64, scratch_operands = 5 : i64, tpu.core_type = #tpu.core_type<sc_vector_subcore>, window_params = [{transform_indices = #map}, {transform_indices = #map1}, {transform_indices = #map1}, {transform_indices = #map}]} {
    %mul3A = arith.constant 16 : i32
    %mul3A_0 = arith.muli %arg0, %mul3A : i32
    %add3A = arith.addi %mul3A_0, %arg1 : i32
    %mul3A_1 = arith.constant 4 : i32
    %mul3A_2 = arith.muli %add3A, %mul3A_1 : i32
    %add3A_3 = arith.constant 0 : i32
    %add3A_4 = arith.addi %mul3A_2, %add3A_3 : i32
    "tpu.region"() ({
      %run_scoped3A = tpu.sem_alloc : memref<!tpu.dma_semaphore, #tpu.memory_space<semaphore_mem>>
      %dma_start3A_110 = arith.constant 0 : i32
      %dma_start3A_111 = tpu.memref_slice %arg7[%dma_start3A_110] : memref<40000xf32, #tpu.memory_space<vmem>> -> memref<10000xf32, #tpu.memory_space<vmem>>
      %dma_start3A_112 = arith.constant 0 : i32
      %dma_start3A_113 = tpu.memref_slice %arg2[%add3A_4, %dma_start3A_112] : memref<128x10000xf32, #tpu.memory_space<hbm>> -> memref<1x10000xf32, #tpu.memory_space<hbm>>
      %dma_start3A_114 = tpu.memref_squeeze %dma_start3A_113 : memref<1x10000xf32, #tpu.memory_space<hbm>> -> memref<10000xf32, #tpu.memory_space<hbm>>
      %dma_start3A_115 = arith.constant 0 : i32
      %dma_start3A_116 = tpu.memref_slice %arg7[%dma_start3A_115] : memref<40000xf32, #tpu.memory_space<vmem>> -> memref<10000xf32, #tpu.memory_space<vmem>>
      %dma_start3A_117 = arith.constant 0 : i32
      %dma_start3A_118 = tpu.memref_slice %arg2[%add3A_4, %dma_start3A_117] : memref<128x10000xf32, #tpu.memory_space<hbm>> -> memref<1x10000xf32, #tpu.memory_space<hbm>>
      %dma_start3A_119 = tpu.memref_squeeze %dma_start3A_118 : memref<1x10000xf32, #tpu.memory_space<hbm>> -> memref<10000xf32, #tpu.memory_space<hbm>>
      tpu.enqueue_dma source(%dma_start3A_119 : memref<10000xf32, #tpu.memory_space<hbm>>) target(%dma_start3A_116 : memref<10000xf32, #tpu.memory_space<vmem>>) target_semaphore(%run_scoped3A : memref<!tpu.dma_semaphore, #tpu.memory_space<semaphore_mem>>)
      %dma_wait3A = arith.constant 0 : i32
      %dma_wait3A_120 = tpu.memref_slice %arg7[%dma_wait3A] : memref<40000xf32, #tpu.memory_space<vmem>> -> memref<10000xf32, #tpu.memory_space<vmem>>
      %dma_wait3A_121 = arith.constant 0 : i32
      %dma_wait3A_122 = tpu.memref_slice %arg2[%add3A_4, %dma_wait3A_121] : memref<128x10000xf32, #tpu.memory_space<hbm>> -> memref<1x10000xf32, #tpu.memory_space<hbm>>
      %dma_wait3A_123 = tpu.memref_squeeze %dma_wait3A_122 : memref<1x10000xf32, #tpu.memory_space<hbm>> -> memref<10000xf32, #tpu.memory_space<hbm>>
      %dma_wait3A_124 = arith.constant 0 : i32
      %dma_wait3A_125 = tpu.memref_slice %arg7[%dma_wait3A_124] : memref<40000xf32, #tpu.memory_space<vmem>> -> memref<10000xf32, #tpu.memory_space<vmem>>
      %dma_wait3A_126 = arith.constant 0 : i32
      %dma_wait3A_127 = tpu.memref_slice %arg2[%add3A_4, %dma_wait3A_126] : memref<128x10000xf32, #tpu.memory_space<hbm>> -> memref<1x10000xf32, #tpu.memory_space<hbm>>
      %dma_wait3A_128 = tpu.memref_squeeze %dma_wait3A_127 : memref<1x10000xf32, #tpu.memory_space<hbm>> -> memref<10000xf32, #tpu.memory_space<hbm>>
      tpu.wait_dma2 semaphore(%run_scoped3A : memref<!tpu.dma_semaphore, #tpu.memory_space<semaphore_mem>>) src(%dma_wait3A_128 : memref<10000xf32, #tpu.memory_space<hbm>>) dst(%dma_wait3A_125 : memref<10000xf32, #tpu.memory_space<vmem>>)
      tpu.yield
    }) : () -> ()
    %add3A_5 = arith.constant 1 : i32
    %add3A_6 = arith.addi %mul3A_2, %add3A_5 : i32
    "tpu.region"() ({
      %run_scoped3A = tpu.sem_alloc : memref<!tpu.dma_semaphore, #tpu.memory_space<semaphore_mem>>
      %dma_start3A_110 = arith.constant 10000 : i32
      %dma_start3A_111 = tpu.memref_slice %arg7[%dma_start3A_110] : memref<40000xf32, #tpu.memory_space<vmem>> -> memref<10000xf32, #tpu.memory_space<vmem>>
      %dma_start3A_112 = arith.constant 0 : i32
      %dma_start3A_113 = tpu.memref_slice %arg2[%add3A_6, %dma_start3A_112] : memref<128x10000xf32, #tpu.memory_space<hbm>> -> memref<1x10000xf32, #tpu.memory_space<hbm>>
      %dma_start3A_114 = tpu.memref_squeeze %dma_start3A_113 : memref<1x10000xf32, #tpu.memory_space<hbm>> -> memref<10000xf32, #tpu.memory_space<hbm>>
      %dma_start3A_115 = arith.constant 10000 : i32
      %dma_start3A_116 = tpu.memref_slice %arg7[%dma_start3A_115] : memref<40000xf32, #tpu.memory_space<vmem>> -> memref<10000xf32, #tpu.memory_space<vmem>>
      %dma_start3A_117 = arith.constant 0 : i32
      %dma_start3A_118 = tpu.memref_slice %arg2[%add3A_6, %dma_start3A_117] : memref<128x10000xf32, #tpu.memory_space<hbm>> -> memref<1x10000xf32, #tpu.memory_space<hbm>>
      %dma_start3A_119 = tpu.memref_squeeze %dma_start3A_118 : memref<1x10000xf32, #tpu.memory_space<hbm>> -> memref<10000xf32, #tpu.memory_space<hbm>>
      tpu.enqueue_dma source(%dma_start3A_119 : memref<10000xf32, #tpu.memory_space<hbm>>) target(%dma_start3A_116 : memref<10000xf32, #tpu.memory_space<vmem>>) target_semaphore(%run_scoped3A : memref<!tpu.dma_semaphore, #tpu.memory_space<semaphore_mem>>)
      %dma_wait3A = arith.constant 10000 : i32
      %dma_wait3A_120 = tpu.memref_slice %arg7[%dma_wait3A] : memref<40000xf32, #tpu.memory_space<vmem>> -> memref<10000xf32, #tpu.memory_space<vmem>>
      %dma_wait3A_121 = arith.constant 0 : i32
      %dma_wait3A_122 = tpu.memref_slice %arg2[%add3A_6, %dma_wait3A_121] : memref<128x10000xf32, #tpu.memory_space<hbm>> -> memref<1x10000xf32, #tpu.memory_space<hbm>>
      %dma_wait3A_123 = tpu.memref_squeeze %dma_wait3A_122 : memref<1x10000xf32, #tpu.memory_space<hbm>> -> memref<10000xf32, #tpu.memory_space<hbm>>
      %dma_wait3A_124 = arith.constant 10000 : i32
      %dma_wait3A_125 = tpu.memref_slice %arg7[%dma_wait3A_124] : memref<40000xf32, #tpu.memory_space<vmem>> -> memref<10000xf32, #tpu.memory_space<vmem>>
      %dma_wait3A_126 = arith.constant 0 : i32
      %dma_wait3A_127 = tpu.memref_slice %arg2[%add3A_6, %dma_wait3A_126] : memref<128x10000xf32, #tpu.memory_space<hbm>> -> memref<1x10000xf32, #tpu.memory_space<hbm>>
      %dma_wait3A_128 = tpu.memref_squeeze %dma_wait3A_127 : memref<1x10000xf32, #tpu.memory_space<hbm>> -> memref<10000xf32, #tpu.memory_space<hbm>>
      tpu.wait_dma2 semaphore(%run_scoped3A : memref<!tpu.dma_semaphore, #tpu.memory_space<semaphore_mem>>) src(%dma_wait3A_128 : memref<10000xf32, #tpu.memory_space<hbm>>) dst(%dma_wait3A_125 : memref<10000xf32, #tpu.memory_space<vmem>>)
      tpu.yield
    }) : () -> ()
    %add3A_7 = arith.constant 2 : i32
    %add3A_8 = arith.addi %mul3A_2, %add3A_7 : i32
    "tpu.region"() ({
      %run_scoped3A = tpu.sem_alloc : memref<!tpu.dma_semaphore, #tpu.memory_space<semaphore_mem>>
      %dma_start3A_110 = arith.constant 20000 : i32
      %dma_start3A_111 = tpu.memref_slice %arg7[%dma_start3A_110] : memref<40000xf32, #tpu.memory_space<vmem>> -> memref<10000xf32, #tpu.memory_space<vmem>>
      %dma_start3A_112 = arith.constant 0 : i32
      %dma_start3A_113 = tpu.memref_slice %arg2[%add3A_8, %dma_start3A_112] : memref<128x10000xf32, #tpu.memory_space<hbm>> -> memref<1x10000xf32, #tpu.memory_space<hbm>>
      %dma_start3A_114 = tpu.memref_squeeze %dma_start3A_113 : memref<1x10000xf32, #tpu.memory_space<hbm>> -> memref<10000xf32, #tpu.memory_space<hbm>>
      %dma_start3A_115 = arith.constant 20000 : i32
      %dma_start3A_116 = tpu.memref_slice %arg7[%dma_start3A_115] : memref<40000xf32, #tpu.memory_space<vmem>> -> memref<10000xf32, #tpu.memory_space<vmem>>
      %dma_start3A_117 = arith.constant 0 : i32
      %dma_start3A_118 = tpu.memref_slice %arg2[%add3A_8, %dma_start3A_117] : memref<128x10000xf32, #tpu.memory_space<hbm>> -> memref<1x10000xf32, #tpu.memory_space<hbm>>
      %dma_start3A_119 = tpu.memref_squeeze %dma_start3A_118 : memref<1x10000xf32, #tpu.memory_space<hbm>> -> memref<10000xf32, #tpu.memory_space<hbm>>
      tpu.enqueue_dma source(%dma_start3A_119 : memref<10000xf32, #tpu.memory_space<hbm>>) target(%dma_start3A_116 : memref<10000xf32, #tpu.memory_space<vmem>>) target_semaphore(%run_scoped3A : memref<!tpu.dma_semaphore, #tpu.memory_space<semaphore_mem>>)
      %dma_wait3A = arith.constant 20000 : i32
      %dma_wait3A_120 = tpu.memref_slice %arg7[%dma_wait3A] : memref<40000xf32, #tpu.memory_space<vmem>> -> memref<10000xf32, #tpu.memory_space<vmem>>
      %dma_wait3A_121 = arith.constant 0 : i32
      %dma_wait3A_122 = tpu.memref_slice %arg2[%add3A_8, %dma_wait3A_121] : memref<128x10000xf32, #tpu.memory_space<hbm>> -> memref<1x10000xf32, #tpu.memory_space<hbm>>
      %dma_wait3A_123 = tpu.memref_squeeze %dma_wait3A_122 : memref<1x10000xf32, #tpu.memory_space<hbm>> -> memref<10000xf32, #tpu.memory_space<hbm>>
      %dma_wait3A_124 = arith.constant 20000 : i32
      %dma_wait3A_125 = tpu.memref_slice %arg7[%dma_wait3A_124] : memref<40000xf32, #tpu.memory_space<vmem>> -> memref<10000xf32, #tpu.memory_space<vmem>>
      %dma_wait3A_126 = arith.constant 0 : i32
      %dma_wait3A_127 = tpu.memref_slice %arg2[%add3A_8, %dma_wait3A_126] : memref<128x10000xf32, #tpu.memory_space<hbm>> -> memref<1x10000xf32, #tpu.memory_space<hbm>>
      %dma_wait3A_128 = tpu.memref_squeeze %dma_wait3A_127 : memref<1x10000xf32, #tpu.memory_space<hbm>> -> memref<10000xf32, #tpu.memory_space<hbm>>
      tpu.wait_dma2 semaphore(%run_scoped3A : memref<!tpu.dma_semaphore, #tpu.memory_space<semaphore_mem>>) src(%dma_wait3A_128 : memref<10000xf32, #tpu.memory_space<hbm>>) dst(%dma_wait3A_125 : memref<10000xf32, #tpu.memory_space<vmem>>)
      tpu.yield
    }) : () -> ()
    %add3A_9 = arith.constant 3 : i32
    %add3A_10 = arith.addi %mul3A_2, %add3A_9 : i32
    "tpu.region"() ({
      %run_scoped3A = tpu.sem_alloc : memref<!tpu.dma_semaphore, #tpu.memory_space<semaphore_mem>>
      %dma_start3A_110 = arith.constant 30000 : i32
      %dma_start3A_111 = tpu.memref_slice %arg7[%dma_start3A_110] : memref<40000xf32, #tpu.memory_space<vmem>> -> memref<10000xf32, #tpu.memory_space<vmem>>
      %dma_start3A_112 = arith.constant 0 : i32
      %dma_start3A_113 = tpu.memref_slice %arg2[%add3A_10, %dma_start3A_112] : memref<128x10000xf32, #tpu.memory_space<hbm>> -> memref<1x10000xf32, #tpu.memory_space<hbm>>
      %dma_start3A_114 = tpu.memref_squeeze %dma_start3A_113 : memref<1x10000xf32, #tpu.memory_space<hbm>> -> memref<10000xf32, #tpu.memory_space<hbm>>
      %dma_start3A_115 = arith.constant 30000 : i32
      %dma_start3A_116 = tpu.memref_slice %arg7[%dma_start3A_115] : memref<40000xf32, #tpu.memory_space<vmem>> -> memref<10000xf32, #tpu.memory_space<vmem>>
      %dma_start3A_117 = arith.constant 0 : i32
      %dma_start3A_118 = tpu.memref_slice %arg2[%add3A_10, %dma_start3A_117] : memref<128x10000xf32, #tpu.memory_space<hbm>> -> memref<1x10000xf32, #tpu.memory_space<hbm>>
      %dma_start3A_119 = tpu.memref_squeeze %dma_start3A_118 : memref<1x10000xf32, #tpu.memory_space<hbm>> -> memref<10000xf32, #tpu.memory_space<hbm>>
      tpu.enqueue_dma source(%dma_start3A_119 : memref<10000xf32, #tpu.memory_space<hbm>>) target(%dma_start3A_116 : memref<10000xf32, #tpu.memory_space<vmem>>) target_semaphore(%run_scoped3A : memref<!tpu.dma_semaphore, #tpu.memory_space<semaphore_mem>>)
      %dma_wait3A = arith.constant 30000 : i32
      %dma_wait3A_120 = tpu.memref_slice %arg7[%dma_wait3A] : memref<40000xf32, #tpu.memory_space<vmem>> -> memref<10000xf32, #tpu.memory_space<vmem>>
      %dma_wait3A_121 = arith.constant 0 : i32
      %dma_wait3A_122 = tpu.memref_slice %arg2[%add3A_10, %dma_wait3A_121] : memref<128x10000xf32, #tpu.memory_space<hbm>> -> memref<1x10000xf32, #tpu.memory_space<hbm>>
      %dma_wait3A_123 = tpu.memref_squeeze %dma_wait3A_122 : memref<1x10000xf32, #tpu.memory_space<hbm>> -> memref<10000xf32, #tpu.memory_space<hbm>>
      %dma_wait3A_124 = arith.constant 30000 : i32
      %dma_wait3A_125 = tpu.memref_slice %arg7[%dma_wait3A_124] : memref<40000xf32, #tpu.memory_space<vmem>> -> memref<10000xf32, #tpu.memory_space<vmem>>
      %dma_wait3A_126 = arith.constant 0 : i32
      %dma_wait3A_127 = tpu.memref_slice %arg2[%add3A_10, %dma_wait3A_126] : memref<128x10000xf32, #tpu.memory_space<hbm>> -> memref<1x10000xf32, #tpu.memory_space<hbm>>
      %dma_wait3A_128 = tpu.memref_squeeze %dma_wait3A_127 : memref<1x10000xf32, #tpu.memory_space<hbm>> -> memref<10000xf32, #tpu.memory_space<hbm>>
      tpu.wait_dma2 semaphore(%run_scoped3A : memref<!tpu.dma_semaphore, #tpu.memory_space<semaphore_mem>>) src(%dma_wait3A_128 : memref<10000xf32, #tpu.memory_space<hbm>>) dst(%dma_wait3A_125 : memref<10000xf32, #tpu.memory_space<vmem>>)
      tpu.yield
    }) : () -> ()
    %broadcast_in_dim3A = arith.constant 0.000000e+00 : f32
    %broadcast_in_dim3A_11 = vector.broadcast %broadcast_in_dim3A : f32 to vector<16xf32>
    %parallel_loop3A = arith.constant 0 : i32
    %parallel_loop3A_12 = arith.constant 625 : i32
    %parallel_loop3A_13 = arith.constant 1 : i32
    %parallel_loop3A_14 = arith.constant 32768 : i32
    %parallel_loop3A_15 = arith.constant -65536 : i32
    scf.for %parallel_loop3A_110 = %parallel_loop3A to %parallel_loop3A_12 step %parallel_loop3A_13  : i32 {
      %parallel_loop3A_111 = arith.constant 16 : i32
      %parallel_loop3A_112 = arith.muli %parallel_loop3A_110, %parallel_loop3A_111 : i32
      %parallel_loop3A_113 = arith.constant 0 : i32
      %parallel_loop3A_114 = arith.addi %parallel_loop3A_113, %parallel_loop3A_112 : i32
      %parallel_loop3A_115 = arith.index_cast %parallel_loop3A_114 : i32 to index
      %parallel_loop3A_116 = tpu.vector_load %arg7[%parallel_loop3A_115] {strides = array<i32>} : memref<40000xf32, #tpu.memory_space<vmem>>, vector<16xf32>,
      %parallel_loop3A_117 = arith.constant 10000 : i32
      %parallel_loop3A_118 = arith.addi %parallel_loop3A_117, %parallel_loop3A_112 : i32
      %parallel_loop3A_119 = arith.index_cast %parallel_loop3A_118 : i32 to index
      %parallel_loop3A_120 = tpu.vector_load %arg7[%parallel_loop3A_119] {strides = array<i32>} : memref<40000xf32, #tpu.memory_space<vmem>>, vector<16xf32>,
      %parallel_loop3A_121 = vector.bitcast %parallel_loop3A_116 : vector<16xf32> to vector<16xi32>
      %parallel_loop3A_122 = vector.broadcast %parallel_loop3A_14 : i32 to vector<16xi32>
      %parallel_loop3A_123 = arith.addi %parallel_loop3A_121, %parallel_loop3A_122 : vector<16xi32>
      %parallel_loop3A_124 = vector.bitcast %parallel_loop3A_120 : vector<16xf32> to vector<16xi32>
      %parallel_loop3A_125 = vector.broadcast %parallel_loop3A_14 : i32 to vector<16xi32>
      %parallel_loop3A_126 = arith.addi %parallel_loop3A_124, %parallel_loop3A_125 : vector<16xi32>
      %parallel_loop3A_127 = arith.constant 16 : i32
      %parallel_loop3A_128 = vector.broadcast %parallel_loop3A_127 : i32 to vector<16xi32>
      %parallel_loop3A_129 = arith.shrui %parallel_loop3A_123, %parallel_loop3A_128 : vector<16xi32>
      %parallel_loop3A_130 = vector.broadcast %parallel_loop3A_15 : i32 to vector<16xi32>
      %parallel_loop3A_131 = arith.andi %parallel_loop3A_126, %parallel_loop3A_130 : vector<16xi32>
      %parallel_loop3A_132 = arith.ori %parallel_loop3A_129, %parallel_loop3A_131 : vector<16xi32>
      %parallel_loop3A_133 = arith.constant 0 : i32
      %parallel_loop3A_134 = arith.addi %parallel_loop3A_133, %parallel_loop3A_112 : i32
      %parallel_loop3A_135 = arith.index_cast %parallel_loop3A_134 : i32 to index
      %parallel_loop3A_136 = tpu.vector_load %arg6[%parallel_loop3A_135] {strides = array<i32>} : memref<20000xi32, #tpu.memory_space<vmem>>, vector<16xi32>,
      tpu.vector_store %arg6[%parallel_loop3A_135], %parallel_loop3A_132 {strides = array<i32>} : memref<20000xi32, #tpu.memory_space<vmem>>, vector<16xi32>,
      %parallel_loop3A_137 = arith.constant 20000 : i32
      %parallel_loop3A_138 = arith.addi %parallel_loop3A_137, %parallel_loop3A_112 : i32
      %parallel_loop3A_139 = arith.index_cast %parallel_loop3A_138 : i32 to index
      %parallel_loop3A_140 = tpu.vector_load %arg7[%parallel_loop3A_139] {strides = array<i32>} : memref<40000xf32, #tpu.memory_space<vmem>>, vector<16xf32>,
      %parallel_loop3A_141 = arith.constant 30000 : i32
      %parallel_loop3A_142 = arith.addi %parallel_loop3A_141, %parallel_loop3A_112 : i32
      %parallel_loop3A_143 = arith.index_cast %parallel_loop3A_142 : i32 to index
      %parallel_loop3A_144 = tpu.vector_load %arg7[%parallel_loop3A_143] {strides = array<i32>} : memref<40000xf32, #tpu.memory_space<vmem>>, vector<16xf32>,
      %parallel_loop3A_145 = vector.bitcast %parallel_loop3A_140 : vector<16xf32> to vector<16xi32>
      %parallel_loop3A_146 = vector.broadcast %parallel_loop3A_14 : i32 to vector<16xi32>
      %parallel_loop3A_147 = arith.addi %parallel_loop3A_145, %parallel_loop3A_146 : vector<16xi32>
      %parallel_loop3A_148 = vector.bitcast %parallel_loop3A_144 : vector<16xf32> to vector<16xi32>
      %parallel_loop3A_149 = vector.broadcast %parallel_loop3A_14 : i32 to vector<16xi32>
      %parallel_loop3A_150 = arith.addi %parallel_loop3A_148, %parallel_loop3A_149 : vector<16xi32>
      %parallel_loop3A_151 = arith.constant 16 : i32
      %parallel_loop3A_152 = vector.broadcast %parallel_loop3A_151 : i32 to vector<16xi32>
      %parallel_loop3A_153 = arith.shrui %parallel_loop3A_147, %parallel_loop3A_152 : vector<16xi32>
      %parallel_loop3A_154 = vector.broadcast %parallel_loop3A_15 : i32 to vector<16xi32>
      %parallel_loop3A_155 = arith.andi %parallel_loop3A_150, %parallel_loop3A_154 : vector<16xi32>
      %parallel_loop3A_156 = arith.ori %parallel_loop3A_153, %parallel_loop3A_155 : vector<16xi32>
      %parallel_loop3A_157 = arith.constant 10000 : i32
      %parallel_loop3A_158 = arith.addi %parallel_loop3A_157, %parallel_loop3A_112 : i32
      %parallel_loop3A_159 = arith.index_cast %parallel_loop3A_158 : i32 to index
      %parallel_loop3A_160 = tpu.vector_load %arg6[%parallel_loop3A_159] {strides = array<i32>} : memref<20000xi32, #tpu.memory_space<vmem>>, vector<16xi32>,
      tpu.vector_store %arg6[%parallel_loop3A_159], %parallel_loop3A_156 {strides = array<i32>} : memref<20000xi32, #tpu.memory_space<vmem>>, vector<16xi32>,
    } {sc.loop_unroll_factor = 4 : i64, sc.parallel_access}
    %parallel_loop3A_16 = arith.constant 0 : i32
    %parallel_loop3A_17 = arith.constant 2500 : i32
    %parallel_loop3A_18 = arith.constant 1 : i32
    scf.for %parallel_loop3A_110 = %parallel_loop3A_16 to %parallel_loop3A_17 step %parallel_loop3A_18  : i32 {
      %parallel_loop3A_111 = arith.constant 16 : i32
      %parallel_loop3A_112 = arith.muli %parallel_loop3A_110, %parallel_loop3A_111 : i32
      %parallel_loop3A_113 = arith.index_cast %parallel_loop3A_112 : i32 to index
      %parallel_loop3A_114 = tpu.vector_load %arg7[%parallel_loop3A_113] {strides = array<i32>} : memref<40000xf32, #tpu.memory_space<vmem>>, vector<16xf32>,
      tpu.vector_store %arg7[%parallel_loop3A_113], %broadcast_in_dim3A_11 {strides = array<i32>} : memref<40000xf32, #tpu.memory_space<vmem>>, vector<16xf32>,
    } {sc.loop_unroll_factor = 8 : i64, sc.parallel_access}
    %dma_start3A = arith.constant 0 : i32
    %dma_start3A_19 = tpu.memref_slice %arg8[%dma_start3A] : memref<16000xi32, #tpu.memory_space<vmem>> -> memref<8000xi32, #tpu.memory_space<vmem>>
    %dma_start3A_20 = arith.constant 0 : i32
    %dma_start3A_21 = tpu.memref_slice %arg3[%dma_start3A_20] : memref<320000xi32, #tpu.memory_space<hbm>> -> memref<8000xi32, #tpu.memory_space<hbm>>
    %dma_start3A_22 = arith.constant 0 : i32
    %dma_start3A_23 = tpu.memref_slice %arg8[%dma_start3A_22] : memref<16000xi32, #tpu.memory_space<vmem>> -> memref<8000xi32, #tpu.memory_space<vmem>>
    %dma_start3A_24 = arith.constant 0 : i32
    %dma_start3A_25 = tpu.memref_slice %arg3[%dma_start3A_24] : memref<320000xi32, #tpu.memory_space<hbm>> -> memref<8000xi32, #tpu.memory_space<hbm>>
    tpu.enqueue_dma source(%dma_start3A_25 : memref<8000xi32, #tpu.memory_space<hbm>>) target(%dma_start3A_23 : memref<8000xi32, #tpu.memory_space<vmem>>) target_semaphore(%arg10 : memref<!tpu.dma_semaphore, #tpu.memory_space<semaphore_mem>>)
    %dma_start3A_26 = arith.constant 0 : i32
    %dma_start3A_27 = tpu.memref_slice %arg9[%dma_start3A_26] : memref<16000xf32, #tpu.memory_space<vmem>> -> memref<8000xf32, #tpu.memory_space<vmem>>
    %dma_start3A_28 = arith.constant 0 : i32
    %dma_start3A_29 = tpu.memref_slice %arg4[%dma_start3A_28] : memref<320000xf32, #tpu.memory_space<hbm>> -> memref<8000xf32, #tpu.memory_space<hbm>>
    %dma_start3A_30 = arith.constant 0 : i32
    %dma_start3A_31 = tpu.memref_slice %arg9[%dma_start3A_30] : memref<16000xf32, #tpu.memory_space<vmem>> -> memref<8000xf32, #tpu.memory_space<vmem>>
    %dma_start3A_32 = arith.constant 0 : i32
    %dma_start3A_33 = tpu.memref_slice %arg4[%dma_start3A_32] : memref<320000xf32, #tpu.memory_space<hbm>> -> memref<8000xf32, #tpu.memory_space<hbm>>
    tpu.enqueue_dma source(%dma_start3A_33 : memref<8000xf32, #tpu.memory_space<hbm>>) target(%dma_start3A_31 : memref<8000xf32, #tpu.memory_space<vmem>>) target_semaphore(%arg10 : memref<!tpu.dma_semaphore, #tpu.memory_space<semaphore_mem>>)
    %scan3A = arith.constant 0 : i32
    %scan3A_34 = arith.constant -65536 : i32
    %scan3A_35 = arith.constant 0 : i32
    %scan3A_36 = arith.constant 40 : i32
    %scan3A_37 = arith.addi %scan3A_35, %scan3A_36 : i32
    %scan3A_38 = arith.constant 1 : i32
    scf.for %scan3A_110 = %scan3A_35 to %scan3A_37 step %scan3A_38  : i32 {
      %rem3A = arith.constant 2 : i32
      %rem3A_111 = arith.remsi %scan3A_110, %rem3A : i32
      %mul3A_112 = arith.constant 8000 : i32
      %mul3A_113 = arith.muli %scan3A_110, %mul3A_112 : i32
      %mul3A_114 = arith.constant 8000 : i32
      %mul3A_115 = arith.muli %rem3A_111, %mul3A_114 : i32
      %dma_wait3A = tpu.memref_slice %arg8[%mul3A_115] : memref<16000xi32, #tpu.memory_space<vmem>> -> memref<8000xi32, #tpu.memory_space<vmem>>
      %dma_wait3A_116 = tpu.memref_slice %arg3[%mul3A_113] : memref<320000xi32, #tpu.memory_space<hbm>> -> memref<8000xi32, #tpu.memory_space<hbm>>
      %dma_wait3A_117 = tpu.memref_slice %arg8[%mul3A_115] : memref<16000xi32, #tpu.memory_space<vmem>> -> memref<8000xi32, #tpu.memory_space<vmem>>
      %dma_wait3A_118 = tpu.memref_slice %arg3[%mul3A_113] : memref<320000xi32, #tpu.memory_space<hbm>> -> memref<8000xi32, #tpu.memory_space<hbm>>
      tpu.wait_dma2 semaphore(%arg10 : memref<!tpu.dma_semaphore, #tpu.memory_space<semaphore_mem>>) src(%dma_wait3A_118 : memref<8000xi32, #tpu.memory_space<hbm>>) dst(%dma_wait3A_117 : memref<8000xi32, #tpu.memory_space<vmem>>)
      %dma_wait3A_119 = tpu.memref_slice %arg9[%mul3A_115] : memref<16000xf32, #tpu.memory_space<vmem>> -> memref<8000xf32, #tpu.memory_space<vmem>>
      %dma_wait3A_120 = tpu.memref_slice %arg4[%mul3A_113] : memref<320000xf32, #tpu.memory_space<hbm>> -> memref<8000xf32, #tpu.memory_space<hbm>>
      %dma_wait3A_121 = tpu.memref_slice %arg9[%mul3A_115] : memref<16000xf32, #tpu.memory_space<vmem>> -> memref<8000xf32, #tpu.memory_space<vmem>>
      %dma_wait3A_122 = tpu.memref_slice %arg4[%mul3A_113] : memref<320000xf32, #tpu.memory_space<hbm>> -> memref<8000xf32, #tpu.memory_space<hbm>>
      tpu.wait_dma2 semaphore(%arg10 : memref<!tpu.dma_semaphore, #tpu.memory_space<semaphore_mem>>) src(%dma_wait3A_122 : memref<8000xf32, #tpu.memory_space<hbm>>) dst(%dma_wait3A_121 : memref<8000xf32, #tpu.memory_space<vmem>>)
      %add3A_123 = arith.constant 1 : i32
      %add3A_124 = arith.addi %scan3A_110, %add3A_123 : i32
      %lt3A = arith.constant 40 : i32
      %lt3A_125 = arith.cmpi slt, %add3A_124, %lt3A : i32
      %convert_element_type3A = arith.extui %lt3A_125 : i1 to i32
      %cond3A = arith.constant 0 : i32
      %cond3A_126 = arith.cmpi ne, %convert_element_type3A, %cond3A : i32
      scf.if %cond3A_126 {
        %add3A_132 = arith.constant 1 : i32
        %add3A_133 = arith.addi %scan3A_110, %add3A_132 : i32
        %sub3A = arith.constant 1 : i32
        %sub3A_134 = arith.subi %sub3A, %rem3A_111 : i32
        %mul3A_135 = arith.constant 8000 : i32
        %mul3A_136 = arith.muli %add3A_133, %mul3A_135 : i32
        %mul3A_137 = arith.constant 8000 : i32
        %mul3A_138 = arith.muli %sub3A_134, %mul3A_137 : i32
        %dma_start3A_139 = tpu.memref_slice %arg8[%mul3A_138] : memref<16000xi32, #tpu.memory_space<vmem>> -> memref<8000xi32, #tpu.memory_space<vmem>>
        %dma_start3A_140 = tpu.memref_slice %arg3[%mul3A_136] : memref<320000xi32, #tpu.memory_space<hbm>> -> memref<8000xi32, #tpu.memory_space<hbm>>
        %dma_start3A_141 = tpu.memref_slice %arg8[%mul3A_138] : memref<16000xi32, #tpu.memory_space<vmem>> -> memref<8000xi32, #tpu.memory_space<vmem>>
        %dma_start3A_142 = tpu.memref_slice %arg3[%mul3A_136] : memref<320000xi32, #tpu.memory_space<hbm>> -> memref<8000xi32, #tpu.memory_space<hbm>>
        tpu.enqueue_dma source(%dma_start3A_142 : memref<8000xi32, #tpu.memory_space<hbm>>) target(%dma_start3A_141 : memref<8000xi32, #tpu.memory_space<vmem>>) target_semaphore(%arg10 : memref<!tpu.dma_semaphore, #tpu.memory_space<semaphore_mem>>)
        %dma_start3A_143 = tpu.memref_slice %arg9[%mul3A_138] : memref<16000xf32, #tpu.memory_space<vmem>> -> memref<8000xf32, #tpu.memory_space<vmem>>
        %dma_start3A_144 = tpu.memref_slice %arg4[%mul3A_136] : memref<320000xf32, #tpu.memory_space<hbm>> -> memref<8000xf32, #tpu.memory_space<hbm>>
        %dma_start3A_145 = tpu.memref_slice %arg9[%mul3A_138] : memref<16000xf32, #tpu.memory_space<vmem>> -> memref<8000xf32, #tpu.memory_space<vmem>>
        %dma_start3A_146 = tpu.memref_slice %arg4[%mul3A_136] : memref<320000xf32, #tpu.memory_space<hbm>> -> memref<8000xf32, #tpu.memory_space<hbm>>
        tpu.enqueue_dma source(%dma_start3A_146 : memref<8000xf32, #tpu.memory_space<hbm>>) target(%dma_start3A_145 : memref<8000xf32, #tpu.memory_space<vmem>>) target_semaphore(%arg10 : memref<!tpu.dma_semaphore, #tpu.memory_space<semaphore_mem>>)
      } else {
      }
      %mul3A_127 = arith.constant 8000 : i32
      %mul3A_128 = arith.muli %rem3A_111, %mul3A_127 : i32
      %parallel_loop3A_129 = arith.constant 0 : i32
      %parallel_loop3A_130 = arith.constant 500 : i32
      %parallel_loop3A_131 = arith.constant 1 : i32
      scf.for %parallel_loop3A_132 = %parallel_loop3A_129 to %parallel_loop3A_130 step %parallel_loop3A_131  : i32 {
        %parallel_loop3A_133 = arith.constant 16 : i32
        %parallel_loop3A_134 = arith.muli %parallel_loop3A_132, %parallel_loop3A_133 : i32
        %parallel_loop3A_135 = arith.addi %mul3A_128, %parallel_loop3A_134 : i32
        %parallel_loop3A_136 = arith.index_cast %parallel_loop3A_135 : i32 to index
        %parallel_loop3A_137 = tpu.vector_load %arg8[%parallel_loop3A_136] {strides = array<i32>} : memref<16000xi32, #tpu.memory_space<vmem>>, vector<16xi32>,
        %parallel_loop3A_138 = arith.index_cast %parallel_loop3A_135 : i32 to index
        %parallel_loop3A_139 = tpu.vector_load %arg9[%parallel_loop3A_138] {strides = array<i32>} : memref<16000xf32, #tpu.memory_space<vmem>>, vector<16xf32>,
        %parallel_loop3A_140 = arith.constant 65535 : i32
        %parallel_loop3A_141 = vector.broadcast %parallel_loop3A_140 : i32 to vector<16xi32>
        %parallel_loop3A_142 = arith.andi %parallel_loop3A_137, %parallel_loop3A_141 : vector<16xi32>
        %parallel_loop3A_143 = arith.constant 16 : i32
        %parallel_loop3A_144 = vector.broadcast %parallel_loop3A_143 : i32 to vector<16xi32>
        %parallel_loop3A_145 = arith.shrui %parallel_loop3A_137, %parallel_loop3A_144 : vector<16xi32>
        %parallel_loop3A_146 = arith.constant 0 : i32
        %parallel_loop3A_147 = vector.broadcast %parallel_loop3A_146 : i32 to vector<16xi32>
        %parallel_loop3A_148 = arith.addi %parallel_loop3A_142, %parallel_loop3A_147 : vector<16xi32>
        %parallel_loop3A_149 = tpu.vector_load_idx %arg6[%parallel_loop3A_148] : memref<20000xi32, #tpu.memory_space<vmem>>[vector<16xi32>], vector<16xi32>,
        %parallel_loop3A_150 = arith.constant 16 : i32
        %parallel_loop3A_151 = vector.broadcast %parallel_loop3A_150 : i32 to vector<16xi32>
        %parallel_loop3A_152 = arith.shli %parallel_loop3A_149, %parallel_loop3A_151 : vector<16xi32>
        %parallel_loop3A_153 = vector.bitcast %parallel_loop3A_152 : vector<16xi32> to vector<16xf32>
        %parallel_loop3A_154 = vector.broadcast %scan3A_34 : i32 to vector<16xi32>
        %parallel_loop3A_155 = arith.andi %parallel_loop3A_149, %parallel_loop3A_154 : vector<16xi32>
        %parallel_loop3A_156 = vector.bitcast %parallel_loop3A_155 : vector<16xi32> to vector<16xf32>
        %parallel_loop3A_157 = arith.constant 0 : i32
        %parallel_loop3A_158 = vector.broadcast %parallel_loop3A_157 : i32 to vector<16xi32>
        %parallel_loop3A_159 = arith.addi %parallel_loop3A_145, %parallel_loop3A_158 : vector<16xi32>
        %parallel_loop3A_160 = arith.mulf %parallel_loop3A_153, %parallel_loop3A_139 : vector<16xf32>
        tpu.vector_store_idx %arg7[%parallel_loop3A_159], %parallel_loop3A_160 {add = true} : memref<40000xf32, #tpu.memory_space<vmem>>[vector<16xi32>], vector<16xf32>,
        %parallel_loop3A_161 = arith.constant 10000 : i32
        %parallel_loop3A_162 = vector.broadcast %parallel_loop3A_161 : i32 to vector<16xi32>
        %parallel_loop3A_163 = arith.addi %parallel_loop3A_145, %parallel_loop3A_162 : vector<16xi32>
        %parallel_loop3A_164 = arith.mulf %parallel_loop3A_156, %parallel_loop3A_139 : vector<16xf32>
        tpu.vector_store_idx %arg7[%parallel_loop3A_163], %parallel_loop3A_164 {add = true} : memref<40000xf32, #tpu.memory_space<vmem>>[vector<16xi32>], vector<16xf32>,
        %parallel_loop3A_165 = arith.constant 10000 : i32
        %parallel_loop3A_166 = vector.broadcast %parallel_loop3A_165 : i32 to vector<16xi32>
        %parallel_loop3A_167 = arith.addi %parallel_loop3A_142, %parallel_loop3A_166 : vector<16xi32>
        %parallel_loop3A_168 = tpu.vector_load_idx %arg6[%parallel_loop3A_167] : memref<20000xi32, #tpu.memory_space<vmem>>[vector<16xi32>], vector<16xi32>,
        %parallel_loop3A_169 = arith.constant 16 : i32
        %parallel_loop3A_170 = vector.broadcast %parallel_loop3A_169 : i32 to vector<16xi32>
        %parallel_loop3A_171 = arith.shli %parallel_loop3A_168, %parallel_loop3A_170 : vector<16xi32>
        %parallel_loop3A_172 = vector.bitcast %parallel_loop3A_171 : vector<16xi32> to vector<16xf32>
        %parallel_loop3A_173 = vector.broadcast %scan3A_34 : i32 to vector<16xi32>
        %parallel_loop3A_174 = arith.andi %parallel_loop3A_168, %parallel_loop3A_173 : vector<16xi32>
        %parallel_loop3A_175 = vector.bitcast %parallel_loop3A_174 : vector<16xi32> to vector<16xf32>
        %parallel_loop3A_176 = arith.constant 20000 : i32
        %parallel_loop3A_177 = vector.broadcast %parallel_loop3A_176 : i32 to vector<16xi32>
        %parallel_loop3A_178 = arith.addi %parallel_loop3A_145, %parallel_loop3A_177 : vector<16xi32>
        %parallel_loop3A_179 = arith.mulf %parallel_loop3A_172, %parallel_loop3A_139 : vector<16xf32>
        tpu.vector_store_idx %arg7[%parallel_loop3A_178], %parallel_loop3A_179 {add = true} : memref<40000xf32, #tpu.memory_space<vmem>>[vector<16xi32>], vector<16xf32>,
        %parallel_loop3A_180 = arith.constant 30000 : i32
        %parallel_loop3A_181 = vector.broadcast %parallel_loop3A_180 : i32 to vector<16xi32>
        %parallel_loop3A_182 = arith.addi %parallel_loop3A_145, %parallel_loop3A_181 : vector<16xi32>
        %parallel_loop3A_183 = arith.mulf %parallel_loop3A_175, %parallel_loop3A_139 : vector<16xf32>
        tpu.vector_store_idx %arg7[%parallel_loop3A_182], %parallel_loop3A_183 {add = true} : memref<40000xf32, #tpu.memory_space<vmem>>[vector<16xi32>], vector<16xf32>,
      } {sc.loop_unroll_factor = 4 : i64, sc.parallel_access}
    }
    %scan3A_39 = arith.constant 40 : i32
    %dma_start3A_40 = arith.constant 0 : i32
    %dma_start3A_41 = tpu.memref_slice %arg8[%dma_start3A_40] : memref<16000xi32, #tpu.memory_space<vmem>> -> memref<8000xi32, #tpu.memory_space<vmem>>
    %dma_start3A_42 = arith.constant 0 : i32
    %dma_start3A_43 = tpu.memref_slice %arg3[%dma_start3A_42] : memref<320000xi32, #tpu.memory_space<hbm>> -> memref<8000xi32, #tpu.memory_space<hbm>>
    %dma_start3A_44 = arith.constant 0 : i32
    %dma_start3A_45 = tpu.memref_slice %arg8[%dma_start3A_44] : memref<16000xi32, #tpu.memory_space<vmem>> -> memref<8000xi32, #tpu.memory_space<vmem>>
    %dma_start3A_46 = arith.constant 0 : i32
    %dma_start3A_47 = tpu.memref_slice %arg3[%dma_start3A_46] : memref<320000xi32, #tpu.memory_space<hbm>> -> memref<8000xi32, #tpu.memory_space<hbm>>
    tpu.enqueue_dma source(%dma_start3A_47 : memref<8000xi32, #tpu.memory_space<hbm>>) target(%dma_start3A_45 : memref<8000xi32, #tpu.memory_space<vmem>>) target_semaphore(%arg10 : memref<!tpu.dma_semaphore, #tpu.memory_space<semaphore_mem>>)
    %dma_start3A_48 = arith.constant 0 : i32
    %dma_start3A_49 = tpu.memref_slice %arg9[%dma_start3A_48] : memref<16000xf32, #tpu.memory_space<vmem>> -> memref<8000xf32, #tpu.memory_space<vmem>>
    %dma_start3A_50 = arith.constant 0 : i32
    %dma_start3A_51 = tpu.memref_slice %arg4[%dma_start3A_50] : memref<320000xf32, #tpu.memory_space<hbm>> -> memref<8000xf32, #tpu.memory_space<hbm>>
    %dma_start3A_52 = arith.constant 0 : i32
    %dma_start3A_53 = tpu.memref_slice %arg9[%dma_start3A_52] : memref<16000xf32, #tpu.memory_space<vmem>> -> memref<8000xf32, #tpu.memory_space<vmem>>
    %dma_start3A_54 = arith.constant 0 : i32
    %dma_start3A_55 = tpu.memref_slice %arg4[%dma_start3A_54] : memref<320000xf32, #tpu.memory_space<hbm>> -> memref<8000xf32, #tpu.memory_space<hbm>>
    tpu.enqueue_dma source(%dma_start3A_55 : memref<8000xf32, #tpu.memory_space<hbm>>) target(%dma_start3A_53 : memref<8000xf32, #tpu.memory_space<vmem>>) target_semaphore(%arg10 : memref<!tpu.dma_semaphore, #tpu.memory_space<semaphore_mem>>)
    %parallel_loop3A_56 = arith.constant 0 : i32
    %parallel_loop3A_57 = arith.constant 625 : i32
    %parallel_loop3A_58 = arith.constant 1 : i32
    %parallel_loop3A_59 = arith.constant 32768 : i32
    %parallel_loop3A_60 = arith.constant -65536 : i32
    scf.for %parallel_loop3A_110 = %parallel_loop3A_56 to %parallel_loop3A_57 step %parallel_loop3A_58  : i32 {
      %parallel_loop3A_111 = arith.constant 16 : i32
      %parallel_loop3A_112 = arith.muli %parallel_loop3A_110, %parallel_loop3A_111 : i32
      %parallel_loop3A_113 = arith.constant 0 : i32
      %parallel_loop3A_114 = arith.addi %parallel_loop3A_113, %parallel_loop3A_112 : i32
      %parallel_loop3A_115 = arith.index_cast %parallel_loop3A_114 : i32 to index
      %parallel_loop3A_116 = tpu.vector_load %arg7[%parallel_loop3A_115] {strides = array<i32>} : memref<40000xf32, #tpu.memory_space<vmem>>, vector<16xf32>,
      %parallel_loop3A_117 = arith.constant 10000 : i32
      %parallel_loop3A_118 = arith.addi %parallel_loop3A_117, %parallel_loop3A_112 : i32
      %parallel_loop3A_119 = arith.index_cast %parallel_loop3A_118 : i32 to index
      %parallel_loop3A_120 = tpu.vector_load %arg7[%parallel_loop3A_119] {strides = array<i32>} : memref<40000xf32, #tpu.memory_space<vmem>>, vector<16xf32>,
      %parallel_loop3A_121 = vector.bitcast %parallel_loop3A_116 : vector<16xf32> to vector<16xi32>
      %parallel_loop3A_122 = vector.broadcast %parallel_loop3A_59 : i32 to vector<16xi32>
      %parallel_loop3A_123 = arith.addi %parallel_loop3A_121, %parallel_loop3A_122 : vector<16xi32>
      %parallel_loop3A_124 = vector.bitcast %parallel_loop3A_120 : vector<16xf32> to vector<16xi32>
      %parallel_loop3A_125 = vector.broadcast %parallel_loop3A_59 : i32 to vector<16xi32>
      %parallel_loop3A_126 = arith.addi %parallel_loop3A_124, %parallel_loop3A_125 : vector<16xi32>
      %parallel_loop3A_127 = arith.constant 16 : i32
      %parallel_loop3A_128 = vector.broadcast %parallel_loop3A_127 : i32 to vector<16xi32>
      %parallel_loop3A_129 = arith.shrui %parallel_loop3A_123, %parallel_loop3A_128 : vector<16xi32>
      %parallel_loop3A_130 = vector.broadcast %parallel_loop3A_60 : i32 to vector<16xi32>
      %parallel_loop3A_131 = arith.andi %parallel_loop3A_126, %parallel_loop3A_130 : vector<16xi32>
      %parallel_loop3A_132 = arith.ori %parallel_loop3A_129, %parallel_loop3A_131 : vector<16xi32>
      %parallel_loop3A_133 = arith.constant 0 : i32
      %parallel_loop3A_134 = arith.addi %parallel_loop3A_133, %parallel_loop3A_112 : i32
      %parallel_loop3A_135 = arith.index_cast %parallel_loop3A_134 : i32 to index
      %parallel_loop3A_136 = tpu.vector_load %arg6[%parallel_loop3A_135] {strides = array<i32>} : memref<20000xi32, #tpu.memory_space<vmem>>, vector<16xi32>,
      tpu.vector_store %arg6[%parallel_loop3A_135], %parallel_loop3A_132 {strides = array<i32>} : memref<20000xi32, #tpu.memory_space<vmem>>, vector<16xi32>,
      %parallel_loop3A_137 = arith.constant 20000 : i32
      %parallel_loop3A_138 = arith.addi %parallel_loop3A_137, %parallel_loop3A_112 : i32
      %parallel_loop3A_139 = arith.index_cast %parallel_loop3A_138 : i32 to index
      %parallel_loop3A_140 = tpu.vector_load %arg7[%parallel_loop3A_139] {strides = array<i32>} : memref<40000xf32, #tpu.memory_space<vmem>>, vector<16xf32>,
      %parallel_loop3A_141 = arith.constant 30000 : i32
      %parallel_loop3A_142 = arith.addi %parallel_loop3A_141, %parallel_loop3A_112 : i32
      %parallel_loop3A_143 = arith.index_cast %parallel_loop3A_142 : i32 to index
      %parallel_loop3A_144 = tpu.vector_load %arg7[%parallel_loop3A_143] {strides = array<i32>} : memref<40000xf32, #tpu.memory_space<vmem>>, vector<16xf32>,
      %parallel_loop3A_145 = vector.bitcast %parallel_loop3A_140 : vector<16xf32> to vector<16xi32>
      %parallel_loop3A_146 = vector.broadcast %parallel_loop3A_59 : i32 to vector<16xi32>
      %parallel_loop3A_147 = arith.addi %parallel_loop3A_145, %parallel_loop3A_146 : vector<16xi32>
      %parallel_loop3A_148 = vector.bitcast %parallel_loop3A_144 : vector<16xf32> to vector<16xi32>
      %parallel_loop3A_149 = vector.broadcast %parallel_loop3A_59 : i32 to vector<16xi32>
      %parallel_loop3A_150 = arith.addi %parallel_loop3A_148, %parallel_loop3A_149 : vector<16xi32>
      %parallel_loop3A_151 = arith.constant 16 : i32
      %parallel_loop3A_152 = vector.broadcast %parallel_loop3A_151 : i32 to vector<16xi32>
      %parallel_loop3A_153 = arith.shrui %parallel_loop3A_147, %parallel_loop3A_152 : vector<16xi32>
      %parallel_loop3A_154 = vector.broadcast %parallel_loop3A_60 : i32 to vector<16xi32>
      %parallel_loop3A_155 = arith.andi %parallel_loop3A_150, %parallel_loop3A_154 : vector<16xi32>
      %parallel_loop3A_156 = arith.ori %parallel_loop3A_153, %parallel_loop3A_155 : vector<16xi32>
      %parallel_loop3A_157 = arith.constant 10000 : i32
      %parallel_loop3A_158 = arith.addi %parallel_loop3A_157, %parallel_loop3A_112 : i32
      %parallel_loop3A_159 = arith.index_cast %parallel_loop3A_158 : i32 to index
      %parallel_loop3A_160 = tpu.vector_load %arg6[%parallel_loop3A_159] {strides = array<i32>} : memref<20000xi32, #tpu.memory_space<vmem>>, vector<16xi32>,
      tpu.vector_store %arg6[%parallel_loop3A_159], %parallel_loop3A_156 {strides = array<i32>} : memref<20000xi32, #tpu.memory_space<vmem>>, vector<16xi32>,
    } {sc.loop_unroll_factor = 4 : i64, sc.parallel_access}
    %parallel_loop3A_61 = arith.constant 0 : i32
    %parallel_loop3A_62 = arith.constant 2500 : i32
    %parallel_loop3A_63 = arith.constant 1 : i32
    scf.for %parallel_loop3A_110 = %parallel_loop3A_61 to %parallel_loop3A_62 step %parallel_loop3A_63  : i32 {
      %parallel_loop3A_111 = arith.constant 16 : i32
      %parallel_loop3A_112 = arith.muli %parallel_loop3A_110, %parallel_loop3A_111 : i32
      %parallel_loop3A_113 = arith.index_cast %parallel_loop3A_112 : i32 to index
      %parallel_loop3A_114 = tpu.vector_load %arg7[%parallel_loop3A_113] {strides = array<i32>} : memref<40000xf32, #tpu.memory_space<vmem>>, vector<16xf32>,
      tpu.vector_store %arg7[%parallel_loop3A_113], %broadcast_in_dim3A_11 {strides = array<i32>} : memref<40000xf32, #tpu.memory_space<vmem>>, vector<16xf32>,
    } {sc.loop_unroll_factor = 8 : i64, sc.parallel_access}
    %scan3A_64 = arith.constant 0 : i32
    %scan3A_65 = arith.constant -65536 : i32
    %scan3A_66 = arith.constant 0 : i32
    %scan3A_67 = arith.constant 40 : i32
    %scan3A_68 = arith.addi %scan3A_66, %scan3A_67 : i32
    %scan3A_69 = arith.constant 1 : i32
    scf.for %scan3A_110 = %scan3A_66 to %scan3A_68 step %scan3A_69  : i32 {
      %rem3A = arith.constant 2 : i32
      %rem3A_111 = arith.remsi %scan3A_110, %rem3A : i32
      %mul3A_112 = arith.constant 8000 : i32
      %mul3A_113 = arith.muli %scan3A_110, %mul3A_112 : i32
      %mul3A_114 = arith.constant 8000 : i32
      %mul3A_115 = arith.muli %rem3A_111, %mul3A_114 : i32
      %dma_wait3A = tpu.memref_slice %arg8[%mul3A_115] : memref<16000xi32, #tpu.memory_space<vmem>> -> memref<8000xi32, #tpu.memory_space<vmem>>
      %dma_wait3A_116 = tpu.memref_slice %arg3[%mul3A_113] : memref<320000xi32, #tpu.memory_space<hbm>> -> memref<8000xi32, #tpu.memory_space<hbm>>
      %dma_wait3A_117 = tpu.memref_slice %arg8[%mul3A_115] : memref<16000xi32, #tpu.memory_space<vmem>> -> memref<8000xi32, #tpu.memory_space<vmem>>
      %dma_wait3A_118 = tpu.memref_slice %arg3[%mul3A_113] : memref<320000xi32, #tpu.memory_space<hbm>> -> memref<8000xi32, #tpu.memory_space<hbm>>
      tpu.wait_dma2 semaphore(%arg10 : memref<!tpu.dma_semaphore, #tpu.memory_space<semaphore_mem>>) src(%dma_wait3A_118 : memref<8000xi32, #tpu.memory_space<hbm>>) dst(%dma_wait3A_117 : memref<8000xi32, #tpu.memory_space<vmem>>)
      %dma_wait3A_119 = tpu.memref_slice %arg9[%mul3A_115] : memref<16000xf32, #tpu.memory_space<vmem>> -> memref<8000xf32, #tpu.memory_space<vmem>>
      %dma_wait3A_120 = tpu.memref_slice %arg4[%mul3A_113] : memref<320000xf32, #tpu.memory_space<hbm>> -> memref<8000xf32, #tpu.memory_space<hbm>>
      %dma_wait3A_121 = tpu.memref_slice %arg9[%mul3A_115] : memref<16000xf32, #tpu.memory_space<vmem>> -> memref<8000xf32, #tpu.memory_space<vmem>>
      %dma_wait3A_122 = tpu.memref_slice %arg4[%mul3A_113] : memref<320000xf32, #tpu.memory_space<hbm>> -> memref<8000xf32, #tpu.memory_space<hbm>>
      tpu.wait_dma2 semaphore(%arg10 : memref<!tpu.dma_semaphore, #tpu.memory_space<semaphore_mem>>) src(%dma_wait3A_122 : memref<8000xf32, #tpu.memory_space<hbm>>) dst(%dma_wait3A_121 : memref<8000xf32, #tpu.memory_space<vmem>>)
      %add3A_123 = arith.constant 1 : i32
      %add3A_124 = arith.addi %scan3A_110, %add3A_123 : i32
      %lt3A = arith.constant 40 : i32
      %lt3A_125 = arith.cmpi slt, %add3A_124, %lt3A : i32
      %convert_element_type3A = arith.extui %lt3A_125 : i1 to i32
      %cond3A = arith.constant 0 : i32
      %cond3A_126 = arith.cmpi ne, %convert_element_type3A, %cond3A : i32
      scf.if %cond3A_126 {
        %add3A_132 = arith.constant 1 : i32
        %add3A_133 = arith.addi %scan3A_110, %add3A_132 : i32
        %sub3A = arith.constant 1 : i32
        %sub3A_134 = arith.subi %sub3A, %rem3A_111 : i32
        %mul3A_135 = arith.constant 8000 : i32
        %mul3A_136 = arith.muli %add3A_133, %mul3A_135 : i32
        %mul3A_137 = arith.constant 8000 : i32
        %mul3A_138 = arith.muli %sub3A_134, %mul3A_137 : i32
        %dma_start3A_139 = tpu.memref_slice %arg8[%mul3A_138] : memref<16000xi32, #tpu.memory_space<vmem>> -> memref<8000xi32, #tpu.memory_space<vmem>>
        %dma_start3A_140 = tpu.memref_slice %arg3[%mul3A_136] : memref<320000xi32, #tpu.memory_space<hbm>> -> memref<8000xi32, #tpu.memory_space<hbm>>
        %dma_start3A_141 = tpu.memref_slice %arg8[%mul3A_138] : memref<16000xi32, #tpu.memory_space<vmem>> -> memref<8000xi32, #tpu.memory_space<vmem>>
        %dma_start3A_142 = tpu.memref_slice %arg3[%mul3A_136] : memref<320000xi32, #tpu.memory_space<hbm>> -> memref<8000xi32, #tpu.memory_space<hbm>>
        tpu.enqueue_dma source(%dma_start3A_142 : memref<8000xi32, #tpu.memory_space<hbm>>) target(%dma_start3A_141 : memref<8000xi32, #tpu.memory_space<vmem>>) target_semaphore(%arg10 : memref<!tpu.dma_semaphore, #tpu.memory_space<semaphore_mem>>)
        %dma_start3A_143 = tpu.memref_slice %arg9[%mul3A_138] : memref<16000xf32, #tpu.memory_space<vmem>> -> memref<8000xf32, #tpu.memory_space<vmem>>
        %dma_start3A_144 = tpu.memref_slice %arg4[%mul3A_136] : memref<320000xf32, #tpu.memory_space<hbm>> -> memref<8000xf32, #tpu.memory_space<hbm>>
        %dma_start3A_145 = tpu.memref_slice %arg9[%mul3A_138] : memref<16000xf32, #tpu.memory_space<vmem>> -> memref<8000xf32, #tpu.memory_space<vmem>>
        %dma_start3A_146 = tpu.memref_slice %arg4[%mul3A_136] : memref<320000xf32, #tpu.memory_space<hbm>> -> memref<8000xf32, #tpu.memory_space<hbm>>
        tpu.enqueue_dma source(%dma_start3A_146 : memref<8000xf32, #tpu.memory_space<hbm>>) target(%dma_start3A_145 : memref<8000xf32, #tpu.memory_space<vmem>>) target_semaphore(%arg10 : memref<!tpu.dma_semaphore, #tpu.memory_space<semaphore_mem>>)
      } else {
      }
      %mul3A_127 = arith.constant 8000 : i32
      %mul3A_128 = arith.muli %rem3A_111, %mul3A_127 : i32
      %parallel_loop3A_129 = arith.constant 0 : i32
      %parallel_loop3A_130 = arith.constant 500 : i32
      %parallel_loop3A_131 = arith.constant 1 : i32
      scf.for %parallel_loop3A_132 = %parallel_loop3A_129 to %parallel_loop3A_130 step %parallel_loop3A_131  : i32 {
        %parallel_loop3A_133 = arith.constant 16 : i32
        %parallel_loop3A_134 = arith.muli %parallel_loop3A_132, %parallel_loop3A_133 : i32
        %parallel_loop3A_135 = arith.addi %mul3A_128, %parallel_loop3A_134 : i32
        %parallel_loop3A_136 = arith.index_cast %parallel_loop3A_135 : i32 to index
        %parallel_loop3A_137 = tpu.vector_load %arg8[%parallel_loop3A_136] {strides = array<i32>} : memref<16000xi32, #tpu.memory_space<vmem>>, vector<16xi32>,
        %parallel_loop3A_138 = arith.index_cast %parallel_loop3A_135 : i32 to index
        %parallel_loop3A_139 = tpu.vector_load %arg9[%parallel_loop3A_138] {strides = array<i32>} : memref<16000xf32, #tpu.memory_space<vmem>>, vector<16xf32>,
        %parallel_loop3A_140 = arith.constant 65535 : i32
        %parallel_loop3A_141 = vector.broadcast %parallel_loop3A_140 : i32 to vector<16xi32>
        %parallel_loop3A_142 = arith.andi %parallel_loop3A_137, %parallel_loop3A_141 : vector<16xi32>
        %parallel_loop3A_143 = arith.constant 16 : i32
        %parallel_loop3A_144 = vector.broadcast %parallel_loop3A_143 : i32 to vector<16xi32>
        %parallel_loop3A_145 = arith.shrui %parallel_loop3A_137, %parallel_loop3A_144 : vector<16xi32>
        %parallel_loop3A_146 = arith.constant 0 : i32
        %parallel_loop3A_147 = vector.broadcast %parallel_loop3A_146 : i32 to vector<16xi32>
        %parallel_loop3A_148 = arith.addi %parallel_loop3A_142, %parallel_loop3A_147 : vector<16xi32>
        %parallel_loop3A_149 = tpu.vector_load_idx %arg6[%parallel_loop3A_148] : memref<20000xi32, #tpu.memory_space<vmem>>[vector<16xi32>], vector<16xi32>,
        %parallel_loop3A_150 = arith.constant 16 : i32
        %parallel_loop3A_151 = vector.broadcast %parallel_loop3A_150 : i32 to vector<16xi32>
        %parallel_loop3A_152 = arith.shli %parallel_loop3A_149, %parallel_loop3A_151 : vector<16xi32>
        %parallel_loop3A_153 = vector.bitcast %parallel_loop3A_152 : vector<16xi32> to vector<16xf32>
        %parallel_loop3A_154 = vector.broadcast %scan3A_65 : i32 to vector<16xi32>
        %parallel_loop3A_155 = arith.andi %parallel_loop3A_149, %parallel_loop3A_154 : vector<16xi32>
        %parallel_loop3A_156 = vector.bitcast %parallel_loop3A_155 : vector<16xi32> to vector<16xf32>
        %parallel_loop3A_157 = arith.constant 0 : i32
        %parallel_loop3A_158 = vector.broadcast %parallel_loop3A_157 : i32 to vector<16xi32>
        %parallel_loop3A_159 = arith.addi %parallel_loop3A_145, %parallel_loop3A_158 : vector<16xi32>
        %parallel_loop3A_160 = arith.mulf %parallel_loop3A_153, %parallel_loop3A_139 : vector<16xf32>
        tpu.vector_store_idx %arg7[%parallel_loop3A_159], %parallel_loop3A_160 {add = true} : memref<40000xf32, #tpu.memory_space<vmem>>[vector<16xi32>], vector<16xf32>,
        %parallel_loop3A_161 = arith.constant 10000 : i32
        %parallel_loop3A_162 = vector.broadcast %parallel_loop3A_161 : i32 to vector<16xi32>
        %parallel_loop3A_163 = arith.addi %parallel_loop3A_145, %parallel_loop3A_162 : vector<16xi32>
        %parallel_loop3A_164 = arith.mulf %parallel_loop3A_156, %parallel_loop3A_139 : vector<16xf32>
        tpu.vector_store_idx %arg7[%parallel_loop3A_163], %parallel_loop3A_164 {add = true} : memref<40000xf32, #tpu.memory_space<vmem>>[vector<16xi32>], vector<16xf32>,
        %parallel_loop3A_165 = arith.constant 10000 : i32
        %parallel_loop3A_166 = vector.broadcast %parallel_loop3A_165 : i32 to vector<16xi32>
        %parallel_loop3A_167 = arith.addi %parallel_loop3A_142, %parallel_loop3A_166 : vector<16xi32>
        %parallel_loop3A_168 = tpu.vector_load_idx %arg6[%parallel_loop3A_167] : memref<20000xi32, #tpu.memory_space<vmem>>[vector<16xi32>], vector<16xi32>,
        %parallel_loop3A_169 = arith.constant 16 : i32
        %parallel_loop3A_170 = vector.broadcast %parallel_loop3A_169 : i32 to vector<16xi32>
        %parallel_loop3A_171 = arith.shli %parallel_loop3A_168, %parallel_loop3A_170 : vector<16xi32>
        %parallel_loop3A_172 = vector.bitcast %parallel_loop3A_171 : vector<16xi32> to vector<16xf32>
        %parallel_loop3A_173 = vector.broadcast %scan3A_65 : i32 to vector<16xi32>
        %parallel_loop3A_174 = arith.andi %parallel_loop3A_168, %parallel_loop3A_173 : vector<16xi32>
        %parallel_loop3A_175 = vector.bitcast %parallel_loop3A_174 : vector<16xi32> to vector<16xf32>
        %parallel_loop3A_176 = arith.constant 20000 : i32
        %parallel_loop3A_177 = vector.broadcast %parallel_loop3A_176 : i32 to vector<16xi32>
        %parallel_loop3A_178 = arith.addi %parallel_loop3A_145, %parallel_loop3A_177 : vector<16xi32>
        %parallel_loop3A_179 = arith.mulf %parallel_loop3A_172, %parallel_loop3A_139 : vector<16xf32>
        tpu.vector_store_idx %arg7[%parallel_loop3A_178], %parallel_loop3A_179 {add = true} : memref<40000xf32, #tpu.memory_space<vmem>>[vector<16xi32>], vector<16xf32>,
        %parallel_loop3A_180 = arith.constant 30000 : i32
        %parallel_loop3A_181 = vector.broadcast %parallel_loop3A_180 : i32 to vector<16xi32>
        %parallel_loop3A_182 = arith.addi %parallel_loop3A_145, %parallel_loop3A_181 : vector<16xi32>
        %parallel_loop3A_183 = arith.mulf %parallel_loop3A_175, %parallel_loop3A_139 : vector<16xf32>
        tpu.vector_store_idx %arg7[%parallel_loop3A_182], %parallel_loop3A_183 {add = true} : memref<40000xf32, #tpu.memory_space<vmem>>[vector<16xi32>], vector<16xf32>,
      } {sc.loop_unroll_factor = 4 : i64, sc.parallel_access}
    }
    %scan3A_70 = arith.constant 40 : i32
    %dma_start3A_71 = arith.constant 0 : i32
    %dma_start3A_72 = tpu.memref_slice %arg8[%dma_start3A_71] : memref<16000xi32, #tpu.memory_space<vmem>> -> memref<8000xi32, #tpu.memory_space<vmem>>
    %dma_start3A_73 = arith.constant 0 : i32
    %dma_start3A_74 = tpu.memref_slice %arg3[%dma_start3A_73] : memref<320000xi32, #tpu.memory_space<hbm>> -> memref<8000xi32, #tpu.memory_space<hbm>>
    %dma_start3A_75 = arith.constant 0 : i32
    %dma_start3A_76 = tpu.memref_slice %arg8[%dma_start3A_75] : memref<16000xi32, #tpu.memory_space<vmem>> -> memref<8000xi32, #tpu.memory_space<vmem>>
    %dma_start3A_77 = arith.constant 0 : i32
    %dma_start3A_78 = tpu.memref_slice %arg3[%dma_start3A_77] : memref<320000xi32, #tpu.memory_space<hbm>> -> memref<8000xi32, #tpu.memory_space<hbm>>
    tpu.enqueue_dma source(%dma_start3A_78 : memref<8000xi32, #tpu.memory_space<hbm>>) target(%dma_start3A_76 : memref<8000xi32, #tpu.memory_space<vmem>>) target_semaphore(%arg10 : memref<!tpu.dma_semaphore, #tpu.memory_space<semaphore_mem>>)
    %dma_start3A_79 = arith.constant 0 : i32
    %dma_start3A_80 = tpu.memref_slice %arg9[%dma_start3A_79] : memref<16000xf32, #tpu.memory_space<vmem>> -> memref<8000xf32, #tpu.memory_space<vmem>>
    %dma_start3A_81 = arith.constant 0 : i32
    %dma_start3A_82 = tpu.memref_slice %arg4[%dma_start3A_81] : memref<320000xf32, #tpu.memory_space<hbm>> -> memref<8000xf32, #tpu.memory_space<hbm>>
    %dma_start3A_83 = arith.constant 0 : i32
    %dma_start3A_84 = tpu.memref_slice %arg9[%dma_start3A_83] : memref<16000xf32, #tpu.memory_space<vmem>> -> memref<8000xf32, #tpu.memory_space<vmem>>
    %dma_start3A_85 = arith.constant 0 : i32
    %dma_start3A_86 = tpu.memref_slice %arg4[%dma_start3A_85] : memref<320000xf32, #tpu.memory_space<hbm>> -> memref<8000xf32, #tpu.memory_space<hbm>>
    tpu.enqueue_dma source(%dma_start3A_86 : memref<8000xf32, #tpu.memory_space<hbm>>) target(%dma_start3A_84 : memref<8000xf32, #tpu.memory_space<vmem>>) target_semaphore(%arg10 : memref<!tpu.dma_semaphore, #tpu.memory_space<semaphore_mem>>)
    %parallel_loop3A_87 = arith.constant 0 : i32
    %parallel_loop3A_88 = arith.constant 625 : i32
    %parallel_loop3A_89 = arith.constant 1 : i32
    %parallel_loop3A_90 = arith.constant 32768 : i32
    %parallel_loop3A_91 = arith.constant -65536 : i32
    scf.for %parallel_loop3A_110 = %parallel_loop3A_87 to %parallel_loop3A_88 step %parallel_loop3A_89  : i32 {
      %parallel_loop3A_111 = arith.constant 16 : i32
      %parallel_loop3A_112 = arith.muli %parallel_loop3A_110, %parallel_loop3A_111 : i32
      %parallel_loop3A_113 = arith.constant 0 : i32
      %parallel_loop3A_114 = arith.addi %parallel_loop3A_113, %parallel_loop3A_112 : i32
      %parallel_loop3A_115 = arith.index_cast %parallel_loop3A_114 : i32 to index
      %parallel_loop3A_116 = tpu.vector_load %arg7[%parallel_loop3A_115] {strides = array<i32>} : memref<40000xf32, #tpu.memory_space<vmem>>, vector<16xf32>,
      %parallel_loop3A_117 = arith.constant 10000 : i32
      %parallel_loop3A_118 = arith.addi %parallel_loop3A_117, %parallel_loop3A_112 : i32
      %parallel_loop3A_119 = arith.index_cast %parallel_loop3A_118 : i32 to index
      %parallel_loop3A_120 = tpu.vector_load %arg7[%parallel_loop3A_119] {strides = array<i32>} : memref<40000xf32, #tpu.memory_space<vmem>>, vector<16xf32>,
      %parallel_loop3A_121 = vector.bitcast %parallel_loop3A_116 : vector<16xf32> to vector<16xi32>
      %parallel_loop3A_122 = vector.broadcast %parallel_loop3A_90 : i32 to vector<16xi32>
      %parallel_loop3A_123 = arith.addi %parallel_loop3A_121, %parallel_loop3A_122 : vector<16xi32>
      %parallel_loop3A_124 = vector.bitcast %parallel_loop3A_120 : vector<16xf32> to vector<16xi32>
      %parallel_loop3A_125 = vector.broadcast %parallel_loop3A_90 : i32 to vector<16xi32>
      %parallel_loop3A_126 = arith.addi %parallel_loop3A_124, %parallel_loop3A_125 : vector<16xi32>
      %parallel_loop3A_127 = arith.constant 16 : i32
      %parallel_loop3A_128 = vector.broadcast %parallel_loop3A_127 : i32 to vector<16xi32>
      %parallel_loop3A_129 = arith.shrui %parallel_loop3A_123, %parallel_loop3A_128 : vector<16xi32>
      %parallel_loop3A_130 = vector.broadcast %parallel_loop3A_91 : i32 to vector<16xi32>
      %parallel_loop3A_131 = arith.andi %parallel_loop3A_126, %parallel_loop3A_130 : vector<16xi32>
      %parallel_loop3A_132 = arith.ori %parallel_loop3A_129, %parallel_loop3A_131 : vector<16xi32>
      %parallel_loop3A_133 = arith.constant 0 : i32
      %parallel_loop3A_134 = arith.addi %parallel_loop3A_133, %parallel_loop3A_112 : i32
      %parallel_loop3A_135 = arith.index_cast %parallel_loop3A_134 : i32 to index
      %parallel_loop3A_136 = tpu.vector_load %arg6[%parallel_loop3A_135] {strides = array<i32>} : memref<20000xi32, #tpu.memory_space<vmem>>, vector<16xi32>,
      tpu.vector_store %arg6[%parallel_loop3A_135], %parallel_loop3A_132 {strides = array<i32>} : memref<20000xi32, #tpu.memory_space<vmem>>, vector<16xi32>,
      %parallel_loop3A_137 = arith.constant 20000 : i32
      %parallel_loop3A_138 = arith.addi %parallel_loop3A_137, %parallel_loop3A_112 : i32
      %parallel_loop3A_139 = arith.index_cast %parallel_loop3A_138 : i32 to index
      %parallel_loop3A_140 = tpu.vector_load %arg7[%parallel_loop3A_139] {strides = array<i32>} : memref<40000xf32, #tpu.memory_space<vmem>>, vector<16xf32>,
      %parallel_loop3A_141 = arith.constant 30000 : i32
      %parallel_loop3A_142 = arith.addi %parallel_loop3A_141, %parallel_loop3A_112 : i32
      %parallel_loop3A_143 = arith.index_cast %parallel_loop3A_142 : i32 to index
      %parallel_loop3A_144 = tpu.vector_load %arg7[%parallel_loop3A_143] {strides = array<i32>} : memref<40000xf32, #tpu.memory_space<vmem>>, vector<16xf32>,
      %parallel_loop3A_145 = vector.bitcast %parallel_loop3A_140 : vector<16xf32> to vector<16xi32>
      %parallel_loop3A_146 = vector.broadcast %parallel_loop3A_90 : i32 to vector<16xi32>
      %parallel_loop3A_147 = arith.addi %parallel_loop3A_145, %parallel_loop3A_146 : vector<16xi32>
      %parallel_loop3A_148 = vector.bitcast %parallel_loop3A_144 : vector<16xf32> to vector<16xi32>
      %parallel_loop3A_149 = vector.broadcast %parallel_loop3A_90 : i32 to vector<16xi32>
      %parallel_loop3A_150 = arith.addi %parallel_loop3A_148, %parallel_loop3A_149 : vector<16xi32>
      %parallel_loop3A_151 = arith.constant 16 : i32
      %parallel_loop3A_152 = vector.broadcast %parallel_loop3A_151 : i32 to vector<16xi32>
      %parallel_loop3A_153 = arith.shrui %parallel_loop3A_147, %parallel_loop3A_152 : vector<16xi32>
      %parallel_loop3A_154 = vector.broadcast %parallel_loop3A_91 : i32 to vector<16xi32>
      %parallel_loop3A_155 = arith.andi %parallel_loop3A_150, %parallel_loop3A_154 : vector<16xi32>
      %parallel_loop3A_156 = arith.ori %parallel_loop3A_153, %parallel_loop3A_155 : vector<16xi32>
      %parallel_loop3A_157 = arith.constant 10000 : i32
      %parallel_loop3A_158 = arith.addi %parallel_loop3A_157, %parallel_loop3A_112 : i32
      %parallel_loop3A_159 = arith.index_cast %parallel_loop3A_158 : i32 to index
      %parallel_loop3A_160 = tpu.vector_load %arg6[%parallel_loop3A_159] {strides = array<i32>} : memref<20000xi32, #tpu.memory_space<vmem>>, vector<16xi32>,
      tpu.vector_store %arg6[%parallel_loop3A_159], %parallel_loop3A_156 {strides = array<i32>} : memref<20000xi32, #tpu.memory_space<vmem>>, vector<16xi32>,
    } {sc.loop_unroll_factor = 4 : i64, sc.parallel_access}
    %parallel_loop3A_92 = arith.constant 0 : i32
    %parallel_loop3A_93 = arith.constant 2500 : i32
    %parallel_loop3A_94 = arith.constant 1 : i32
    scf.for %parallel_loop3A_110 = %parallel_loop3A_92 to %parallel_loop3A_93 step %parallel_loop3A_94  : i32 {
      %parallel_loop3A_111 = arith.constant 16 : i32
      %parallel_loop3A_112 = arith.muli %parallel_loop3A_110, %parallel_loop3A_111 : i32
      %parallel_loop3A_113 = arith.index_cast %parallel_loop3A_112 : i32 to index
      %parallel_loop3A_114 = tpu.vector_load %arg7[%parallel_loop3A_113] {strides = array<i32>} : memref<40000xf32, #tpu.memory_space<vmem>>, vector<16xf32>,
      tpu.vector_store %arg7[%parallel_loop3A_113], %broadcast_in_dim3A_11 {strides = array<i32>} : memref<40000xf32, #tpu.memory_space<vmem>>, vector<16xf32>,
    } {sc.loop_unroll_factor = 8 : i64, sc.parallel_access}
    %scan3A_95 = arith.constant 0 : i32
    %scan3A_96 = arith.constant -65536 : i32
    %scan3A_97 = arith.constant 0 : i32
    %scan3A_98 = arith.constant 40 : i32
    %scan3A_99 = arith.addi %scan3A_97, %scan3A_98 : i32
    %scan3A_100 = arith.constant 1 : i32
    scf.for %scan3A_110 = %scan3A_97 to %scan3A_99 step %scan3A_100  : i32 {
      %rem3A = arith.constant 2 : i32
      %rem3A_111 = arith.remsi %scan3A_110, %rem3A : i32
      %mul3A_112 = arith.constant 8000 : i32
      %mul3A_113 = arith.muli %scan3A_110, %mul3A_112 : i32
      %mul3A_114 = arith.constant 8000 : i32
      %mul3A_115 = arith.muli %rem3A_111, %mul3A_114 : i32
      %dma_wait3A = tpu.memref_slice %arg8[%mul3A_115] : memref<16000xi32, #tpu.memory_space<vmem>> -> memref<8000xi32, #tpu.memory_space<vmem>>
      %dma_wait3A_116 = tpu.memref_slice %arg3[%mul3A_113] : memref<320000xi32, #tpu.memory_space<hbm>> -> memref<8000xi32, #tpu.memory_space<hbm>>
      %dma_wait3A_117 = tpu.memref_slice %arg8[%mul3A_115] : memref<16000xi32, #tpu.memory_space<vmem>> -> memref<8000xi32, #tpu.memory_space<vmem>>
      %dma_wait3A_118 = tpu.memref_slice %arg3[%mul3A_113] : memref<320000xi32, #tpu.memory_space<hbm>> -> memref<8000xi32, #tpu.memory_space<hbm>>
      tpu.wait_dma2 semaphore(%arg10 : memref<!tpu.dma_semaphore, #tpu.memory_space<semaphore_mem>>) src(%dma_wait3A_118 : memref<8000xi32, #tpu.memory_space<hbm>>) dst(%dma_wait3A_117 : memref<8000xi32, #tpu.memory_space<vmem>>)
      %dma_wait3A_119 = tpu.memref_slice %arg9[%mul3A_115] : memref<16000xf32, #tpu.memory_space<vmem>> -> memref<8000xf32, #tpu.memory_space<vmem>>
      %dma_wait3A_120 = tpu.memref_slice %arg4[%mul3A_113] : memref<320000xf32, #tpu.memory_space<hbm>> -> memref<8000xf32, #tpu.memory_space<hbm>>
      %dma_wait3A_121 = tpu.memref_slice %arg9[%mul3A_115] : memref<16000xf32, #tpu.memory_space<vmem>> -> memref<8000xf32, #tpu.memory_space<vmem>>
      %dma_wait3A_122 = tpu.memref_slice %arg4[%mul3A_113] : memref<320000xf32, #tpu.memory_space<hbm>> -> memref<8000xf32, #tpu.memory_space<hbm>>
      tpu.wait_dma2 semaphore(%arg10 : memref<!tpu.dma_semaphore, #tpu.memory_space<semaphore_mem>>) src(%dma_wait3A_122 : memref<8000xf32, #tpu.memory_space<hbm>>) dst(%dma_wait3A_121 : memref<8000xf32, #tpu.memory_space<vmem>>)
      %add3A_123 = arith.constant 1 : i32
      %add3A_124 = arith.addi %scan3A_110, %add3A_123 : i32
      %lt3A = arith.constant 40 : i32
      %lt3A_125 = arith.cmpi slt, %add3A_124, %lt3A : i32
      %convert_element_type3A = arith.extui %lt3A_125 : i1 to i32
      %cond3A = arith.constant 0 : i32
      %cond3A_126 = arith.cmpi ne, %convert_element_type3A, %cond3A : i32
      scf.if %cond3A_126 {
        %add3A_132 = arith.constant 1 : i32
        %add3A_133 = arith.addi %scan3A_110, %add3A_132 : i32
        %sub3A = arith.constant 1 : i32
        %sub3A_134 = arith.subi %sub3A, %rem3A_111 : i32
        %mul3A_135 = arith.constant 8000 : i32
        %mul3A_136 = arith.muli %add3A_133, %mul3A_135 : i32
        %mul3A_137 = arith.constant 8000 : i32
        %mul3A_138 = arith.muli %sub3A_134, %mul3A_137 : i32
        %dma_start3A_139 = tpu.memref_slice %arg8[%mul3A_138] : memref<16000xi32, #tpu.memory_space<vmem>> -> memref<8000xi32, #tpu.memory_space<vmem>>
        %dma_start3A_140 = tpu.memref_slice %arg3[%mul3A_136] : memref<320000xi32, #tpu.memory_space<hbm>> -> memref<8000xi32, #tpu.memory_space<hbm>>
        %dma_start3A_141 = tpu.memref_slice %arg8[%mul3A_138] : memref<16000xi32, #tpu.memory_space<vmem>> -> memref<8000xi32, #tpu.memory_space<vmem>>
        %dma_start3A_142 = tpu.memref_slice %arg3[%mul3A_136] : memref<320000xi32, #tpu.memory_space<hbm>> -> memref<8000xi32, #tpu.memory_space<hbm>>
        tpu.enqueue_dma source(%dma_start3A_142 : memref<8000xi32, #tpu.memory_space<hbm>>) target(%dma_start3A_141 : memref<8000xi32, #tpu.memory_space<vmem>>) target_semaphore(%arg10 : memref<!tpu.dma_semaphore, #tpu.memory_space<semaphore_mem>>)
        %dma_start3A_143 = tpu.memref_slice %arg9[%mul3A_138] : memref<16000xf32, #tpu.memory_space<vmem>> -> memref<8000xf32, #tpu.memory_space<vmem>>
        %dma_start3A_144 = tpu.memref_slice %arg4[%mul3A_136] : memref<320000xf32, #tpu.memory_space<hbm>> -> memref<8000xf32, #tpu.memory_space<hbm>>
        %dma_start3A_145 = tpu.memref_slice %arg9[%mul3A_138] : memref<16000xf32, #tpu.memory_space<vmem>> -> memref<8000xf32, #tpu.memory_space<vmem>>
        %dma_start3A_146 = tpu.memref_slice %arg4[%mul3A_136] : memref<320000xf32, #tpu.memory_space<hbm>> -> memref<8000xf32, #tpu.memory_space<hbm>>
        tpu.enqueue_dma source(%dma_start3A_146 : memref<8000xf32, #tpu.memory_space<hbm>>) target(%dma_start3A_145 : memref<8000xf32, #tpu.memory_space<vmem>>) target_semaphore(%arg10 : memref<!tpu.dma_semaphore, #tpu.memory_space<semaphore_mem>>)
      } else {
      }
      %mul3A_127 = arith.constant 8000 : i32
      %mul3A_128 = arith.muli %rem3A_111, %mul3A_127 : i32
      %parallel_loop3A_129 = arith.constant 0 : i32
      %parallel_loop3A_130 = arith.constant 500 : i32
      %parallel_loop3A_131 = arith.constant 1 : i32
      scf.for %parallel_loop3A_132 = %parallel_loop3A_129 to %parallel_loop3A_130 step %parallel_loop3A_131  : i32 {
        %parallel_loop3A_133 = arith.constant 16 : i32
        %parallel_loop3A_134 = arith.muli %parallel_loop3A_132, %parallel_loop3A_133 : i32
        %parallel_loop3A_135 = arith.addi %mul3A_128, %parallel_loop3A_134 : i32
        %parallel_loop3A_136 = arith.index_cast %parallel_loop3A_135 : i32 to index
        %parallel_loop3A_137 = tpu.vector_load %arg8[%parallel_loop3A_136] {strides = array<i32>} : memref<16000xi32, #tpu.memory_space<vmem>>, vector<16xi32>,
        %parallel_loop3A_138 = arith.index_cast %parallel_loop3A_135 : i32 to index
        %parallel_loop3A_139 = tpu.vector_load %arg9[%parallel_loop3A_138] {strides = array<i32>} : memref<16000xf32, #tpu.memory_space<vmem>>, vector<16xf32>,
        %parallel_loop3A_140 = arith.constant 65535 : i32
        %parallel_loop3A_141 = vector.broadcast %parallel_loop3A_140 : i32 to vector<16xi32>
        %parallel_loop3A_142 = arith.andi %parallel_loop3A_137, %parallel_loop3A_141 : vector<16xi32>
        %parallel_loop3A_143 = arith.constant 16 : i32
        %parallel_loop3A_144 = vector.broadcast %parallel_loop3A_143 : i32 to vector<16xi32>
        %parallel_loop3A_145 = arith.shrui %parallel_loop3A_137, %parallel_loop3A_144 : vector<16xi32>
        %parallel_loop3A_146 = arith.constant 0 : i32
        %parallel_loop3A_147 = vector.broadcast %parallel_loop3A_146 : i32 to vector<16xi32>
        %parallel_loop3A_148 = arith.addi %parallel_loop3A_142, %parallel_loop3A_147 : vector<16xi32>
        %parallel_loop3A_149 = tpu.vector_load_idx %arg6[%parallel_loop3A_148] : memref<20000xi32, #tpu.memory_space<vmem>>[vector<16xi32>], vector<16xi32>,
        %parallel_loop3A_150 = arith.constant 16 : i32
        %parallel_loop3A_151 = vector.broadcast %parallel_loop3A_150 : i32 to vector<16xi32>
        %parallel_loop3A_152 = arith.shli %parallel_loop3A_149, %parallel_loop3A_151 : vector<16xi32>
        %parallel_loop3A_153 = vector.bitcast %parallel_loop3A_152 : vector<16xi32> to vector<16xf32>
        %parallel_loop3A_154 = vector.broadcast %scan3A_96 : i32 to vector<16xi32>
        %parallel_loop3A_155 = arith.andi %parallel_loop3A_149, %parallel_loop3A_154 : vector<16xi32>
        %parallel_loop3A_156 = vector.bitcast %parallel_loop3A_155 : vector<16xi32> to vector<16xf32>
        %parallel_loop3A_157 = arith.constant 0 : i32
        %parallel_loop3A_158 = vector.broadcast %parallel_loop3A_157 : i32 to vector<16xi32>
        %parallel_loop3A_159 = arith.addi %parallel_loop3A_145, %parallel_loop3A_158 : vector<16xi32>
        %parallel_loop3A_160 = arith.mulf %parallel_loop3A_153, %parallel_loop3A_139 : vector<16xf32>
        tpu.vector_store_idx %arg7[%parallel_loop3A_159], %parallel_loop3A_160 {add = true} : memref<40000xf32, #tpu.memory_space<vmem>>[vector<16xi32>], vector<16xf32>,
        %parallel_loop3A_161 = arith.constant 10000 : i32
        %parallel_loop3A_162 = vector.broadcast %parallel_loop3A_161 : i32 to vector<16xi32>
        %parallel_loop3A_163 = arith.addi %parallel_loop3A_145, %parallel_loop3A_162 : vector<16xi32>
        %parallel_loop3A_164 = arith.mulf %parallel_loop3A_156, %parallel_loop3A_139 : vector<16xf32>
        tpu.vector_store_idx %arg7[%parallel_loop3A_163], %parallel_loop3A_164 {add = true} : memref<40000xf32, #tpu.memory_space<vmem>>[vector<16xi32>], vector<16xf32>,
        %parallel_loop3A_165 = arith.constant 10000 : i32
        %parallel_loop3A_166 = vector.broadcast %parallel_loop3A_165 : i32 to vector<16xi32>
        %parallel_loop3A_167 = arith.addi %parallel_loop3A_142, %parallel_loop3A_166 : vector<16xi32>
        %parallel_loop3A_168 = tpu.vector_load_idx %arg6[%parallel_loop3A_167] : memref<20000xi32, #tpu.memory_space<vmem>>[vector<16xi32>], vector<16xi32>,
        %parallel_loop3A_169 = arith.constant 16 : i32
        %parallel_loop3A_170 = vector.broadcast %parallel_loop3A_169 : i32 to vector<16xi32>
        %parallel_loop3A_171 = arith.shli %parallel_loop3A_168, %parallel_loop3A_170 : vector<16xi32>
        %parallel_loop3A_172 = vector.bitcast %parallel_loop3A_171 : vector<16xi32> to vector<16xf32>
        %parallel_loop3A_173 = vector.broadcast %scan3A_96 : i32 to vector<16xi32>
        %parallel_loop3A_174 = arith.andi %parallel_loop3A_168, %parallel_loop3A_173 : vector<16xi32>
        %parallel_loop3A_175 = vector.bitcast %parallel_loop3A_174 : vector<16xi32> to vector<16xf32>
        %parallel_loop3A_176 = arith.constant 20000 : i32
        %parallel_loop3A_177 = vector.broadcast %parallel_loop3A_176 : i32 to vector<16xi32>
        %parallel_loop3A_178 = arith.addi %parallel_loop3A_145, %parallel_loop3A_177 : vector<16xi32>
        %parallel_loop3A_179 = arith.mulf %parallel_loop3A_172, %parallel_loop3A_139 : vector<16xf32>
        tpu.vector_store_idx %arg7[%parallel_loop3A_178], %parallel_loop3A_179 {add = true} : memref<40000xf32, #tpu.memory_space<vmem>>[vector<16xi32>], vector<16xf32>,
        %parallel_loop3A_180 = arith.constant 30000 : i32
        %parallel_loop3A_181 = vector.broadcast %parallel_loop3A_180 : i32 to vector<16xi32>
        %parallel_loop3A_182 = arith.addi %parallel_loop3A_145, %parallel_loop3A_181 : vector<16xi32>
        %parallel_loop3A_183 = arith.mulf %parallel_loop3A_175, %parallel_loop3A_139 : vector<16xf32>
        tpu.vector_store_idx %arg7[%parallel_loop3A_182], %parallel_loop3A_183 {add = true} : memref<40000xf32, #tpu.memory_space<vmem>>[vector<16xi32>], vector<16xf32>,
      } {sc.loop_unroll_factor = 4 : i64, sc.parallel_access}
    }
    %scan3A_101 = arith.constant 40 : i32
    %add3A_102 = arith.constant 0 : i32
    %add3A_103 = arith.addi %mul3A_2, %add3A_102 : i32
    "tpu.region"() ({
      %run_scoped3A = tpu.sem_alloc : memref<!tpu.dma_semaphore, #tpu.memory_space<semaphore_mem>>
      %dma_start3A_110 = arith.constant 0 : i32
      %dma_start3A_111 = tpu.memref_slice %arg7[%dma_start3A_110] : memref<40000xf32, #tpu.memory_space<vmem>> -> memref<10000xf32, #tpu.memory_space<vmem>>
      %dma_start3A_112 = arith.constant 0 : i32
      %dma_start3A_113 = tpu.memref_slice %arg5[%add3A_103, %dma_start3A_112] : memref<128x10000xf32, #tpu.memory_space<hbm>> -> memref<1x10000xf32, #tpu.memory_space<hbm>>
      %dma_start3A_114 = tpu.memref_squeeze %dma_start3A_113 : memref<1x10000xf32, #tpu.memory_space<hbm>> -> memref<10000xf32, #tpu.memory_space<hbm>>
      %dma_start3A_115 = arith.constant 0 : i32
      %dma_start3A_116 = tpu.memref_slice %arg5[%add3A_103, %dma_start3A_115] : memref<128x10000xf32, #tpu.memory_space<hbm>> -> memref<1x10000xf32, #tpu.memory_space<hbm>>
      %dma_start3A_117 = tpu.memref_squeeze %dma_start3A_116 : memref<1x10000xf32, #tpu.memory_space<hbm>> -> memref<10000xf32, #tpu.memory_space<hbm>>
      %dma_start3A_118 = arith.constant 0 : i32
      %dma_start3A_119 = tpu.memref_slice %arg7[%dma_start3A_118] : memref<40000xf32, #tpu.memory_space<vmem>> -> memref<10000xf32, #tpu.memory_space<vmem>>
      tpu.enqueue_dma source(%dma_start3A_119 : memref<10000xf32, #tpu.memory_space<vmem>>) target(%dma_start3A_117 : memref<10000xf32, #tpu.memory_space<hbm>>) target_semaphore(%run_scoped3A : memref<!tpu.dma_semaphore, #tpu.memory_space<semaphore_mem>>)
      %dma_wait3A = arith.constant 0 : i32
      %dma_wait3A_120 = tpu.memref_slice %arg7[%dma_wait3A] : memref<40000xf32, #tpu.memory_space<vmem>> -> memref<10000xf32, #tpu.memory_space<vmem>>
      %dma_wait3A_121 = arith.constant 0 : i32
      %dma_wait3A_122 = tpu.memref_slice %arg5[%add3A_103, %dma_wait3A_121] : memref<128x10000xf32, #tpu.memory_space<hbm>> -> memref<1x10000xf32, #tpu.memory_space<hbm>>
      %dma_wait3A_123 = tpu.memref_squeeze %dma_wait3A_122 : memref<1x10000xf32, #tpu.memory_space<hbm>> -> memref<10000xf32, #tpu.memory_space<hbm>>
      %dma_wait3A_124 = arith.constant 0 : i32
      %dma_wait3A_125 = tpu.memref_slice %arg5[%add3A_103, %dma_wait3A_124] : memref<128x10000xf32, #tpu.memory_space<hbm>> -> memref<1x10000xf32, #tpu.memory_space<hbm>>
      %dma_wait3A_126 = tpu.memref_squeeze %dma_wait3A_125 : memref<1x10000xf32, #tpu.memory_space<hbm>> -> memref<10000xf32, #tpu.memory_space<hbm>>
      %dma_wait3A_127 = arith.constant 0 : i32
      %dma_wait3A_128 = tpu.memref_slice %arg7[%dma_wait3A_127] : memref<40000xf32, #tpu.memory_space<vmem>> -> memref<10000xf32, #tpu.memory_space<vmem>>
      tpu.wait_dma2 semaphore(%run_scoped3A : memref<!tpu.dma_semaphore, #tpu.memory_space<semaphore_mem>>) src(%dma_wait3A_128 : memref<10000xf32, #tpu.memory_space<vmem>>) dst(%dma_wait3A_126 : memref<10000xf32, #tpu.memory_space<hbm>>)
      tpu.yield
    }) : () -> ()
    %add3A_104 = arith.constant 1 : i32
    %add3A_105 = arith.addi %mul3A_2, %add3A_104 : i32
    "tpu.region"() ({
      %run_scoped3A = tpu.sem_alloc : memref<!tpu.dma_semaphore, #tpu.memory_space<semaphore_mem>>
      %dma_start3A_110 = arith.constant 10000 : i32
      %dma_start3A_111 = tpu.memref_slice %arg7[%dma_start3A_110] : memref<40000xf32, #tpu.memory_space<vmem>> -> memref<10000xf32, #tpu.memory_space<vmem>>
      %dma_start3A_112 = arith.constant 0 : i32
      %dma_start3A_113 = tpu.memref_slice %arg5[%add3A_105, %dma_start3A_112] : memref<128x10000xf32, #tpu.memory_space<hbm>> -> memref<1x10000xf32, #tpu.memory_space<hbm>>
      %dma_start3A_114 = tpu.memref_squeeze %dma_start3A_113 : memref<1x10000xf32, #tpu.memory_space<hbm>> -> memref<10000xf32, #tpu.memory_space<hbm>>
      %dma_start3A_115 = arith.constant 0 : i32
      %dma_start3A_116 = tpu.memref_slice %arg5[%add3A_105, %dma_start3A_115] : memref<128x10000xf32, #tpu.memory_space<hbm>> -> memref<1x10000xf32, #tpu.memory_space<hbm>>
      %dma_start3A_117 = tpu.memref_squeeze %dma_start3A_116 : memref<1x10000xf32, #tpu.memory_space<hbm>> -> memref<10000xf32, #tpu.memory_space<hbm>>
      %dma_start3A_118 = arith.constant 10000 : i32
      %dma_start3A_119 = tpu.memref_slice %arg7[%dma_start3A_118] : memref<40000xf32, #tpu.memory_space<vmem>> -> memref<10000xf32, #tpu.memory_space<vmem>>
      tpu.enqueue_dma source(%dma_start3A_119 : memref<10000xf32, #tpu.memory_space<vmem>>) target(%dma_start3A_117 : memref<10000xf32, #tpu.memory_space<hbm>>) target_semaphore(%run_scoped3A : memref<!tpu.dma_semaphore, #tpu.memory_space<semaphore_mem>>)
      %dma_wait3A = arith.constant 10000 : i32
      %dma_wait3A_120 = tpu.memref_slice %arg7[%dma_wait3A] : memref<40000xf32, #tpu.memory_space<vmem>> -> memref<10000xf32, #tpu.memory_space<vmem>>
      %dma_wait3A_121 = arith.constant 0 : i32
      %dma_wait3A_122 = tpu.memref_slice %arg5[%add3A_105, %dma_wait3A_121] : memref<128x10000xf32, #tpu.memory_space<hbm>> -> memref<1x10000xf32, #tpu.memory_space<hbm>>
      %dma_wait3A_123 = tpu.memref_squeeze %dma_wait3A_122 : memref<1x10000xf32, #tpu.memory_space<hbm>> -> memref<10000xf32, #tpu.memory_space<hbm>>
      %dma_wait3A_124 = arith.constant 0 : i32
      %dma_wait3A_125 = tpu.memref_slice %arg5[%add3A_105, %dma_wait3A_124] : memref<128x10000xf32, #tpu.memory_space<hbm>> -> memref<1x10000xf32, #tpu.memory_space<hbm>>
      %dma_wait3A_126 = tpu.memref_squeeze %dma_wait3A_125 : memref<1x10000xf32, #tpu.memory_space<hbm>> -> memref<10000xf32, #tpu.memory_space<hbm>>
      %dma_wait3A_127 = arith.constant 10000 : i32
      %dma_wait3A_128 = tpu.memref_slice %arg7[%dma_wait3A_127] : memref<40000xf32, #tpu.memory_space<vmem>> -> memref<10000xf32, #tpu.memory_space<vmem>>
      tpu.wait_dma2 semaphore(%run_scoped3A : memref<!tpu.dma_semaphore, #tpu.memory_space<semaphore_mem>>) src(%dma_wait3A_128 : memref<10000xf32, #tpu.memory_space<vmem>>) dst(%dma_wait3A_126 : memref<10000xf32, #tpu.memory_space<hbm>>)
      tpu.yield
    }) : () -> ()
    %add3A_106 = arith.constant 2 : i32
    %add3A_107 = arith.addi %mul3A_2, %add3A_106 : i32
    "tpu.region"() ({
      %run_scoped3A = tpu.sem_alloc : memref<!tpu.dma_semaphore, #tpu.memory_space<semaphore_mem>>
      %dma_start3A_110 = arith.constant 20000 : i32
      %dma_start3A_111 = tpu.memref_slice %arg7[%dma_start3A_110] : memref<40000xf32, #tpu.memory_space<vmem>> -> memref<10000xf32, #tpu.memory_space<vmem>>
      %dma_start3A_112 = arith.constant 0 : i32
      %dma_start3A_113 = tpu.memref_slice %arg5[%add3A_107, %dma_start3A_112] : memref<128x10000xf32, #tpu.memory_space<hbm>> -> memref<1x10000xf32, #tpu.memory_space<hbm>>
      %dma_start3A_114 = tpu.memref_squeeze %dma_start3A_113 : memref<1x10000xf32, #tpu.memory_space<hbm>> -> memref<10000xf32, #tpu.memory_space<hbm>>
      %dma_start3A_115 = arith.constant 0 : i32
      %dma_start3A_116 = tpu.memref_slice %arg5[%add3A_107, %dma_start3A_115] : memref<128x10000xf32, #tpu.memory_space<hbm>> -> memref<1x10000xf32, #tpu.memory_space<hbm>>
      %dma_start3A_117 = tpu.memref_squeeze %dma_start3A_116 : memref<1x10000xf32, #tpu.memory_space<hbm>> -> memref<10000xf32, #tpu.memory_space<hbm>>
      %dma_start3A_118 = arith.constant 20000 : i32
      %dma_start3A_119 = tpu.memref_slice %arg7[%dma_start3A_118] : memref<40000xf32, #tpu.memory_space<vmem>> -> memref<10000xf32, #tpu.memory_space<vmem>>
      tpu.enqueue_dma source(%dma_start3A_119 : memref<10000xf32, #tpu.memory_space<vmem>>) target(%dma_start3A_117 : memref<10000xf32, #tpu.memory_space<hbm>>) target_semaphore(%run_scoped3A : memref<!tpu.dma_semaphore, #tpu.memory_space<semaphore_mem>>)
      %dma_wait3A = arith.constant 20000 : i32
      %dma_wait3A_120 = tpu.memref_slice %arg7[%dma_wait3A] : memref<40000xf32, #tpu.memory_space<vmem>> -> memref<10000xf32, #tpu.memory_space<vmem>>
      %dma_wait3A_121 = arith.constant 0 : i32
      %dma_wait3A_122 = tpu.memref_slice %arg5[%add3A_107, %dma_wait3A_121] : memref<128x10000xf32, #tpu.memory_space<hbm>> -> memref<1x10000xf32, #tpu.memory_space<hbm>>
      %dma_wait3A_123 = tpu.memref_squeeze %dma_wait3A_122 : memref<1x10000xf32, #tpu.memory_space<hbm>> -> memref<10000xf32, #tpu.memory_space<hbm>>
      %dma_wait3A_124 = arith.constant 0 : i32
      %dma_wait3A_125 = tpu.memref_slice %arg5[%add3A_107, %dma_wait3A_124] : memref<128x10000xf32, #tpu.memory_space<hbm>> -> memref<1x10000xf32, #tpu.memory_space<hbm>>
      %dma_wait3A_126 = tpu.memref_squeeze %dma_wait3A_125 : memref<1x10000xf32, #tpu.memory_space<hbm>> -> memref<10000xf32, #tpu.memory_space<hbm>>
      %dma_wait3A_127 = arith.constant 20000 : i32
      %dma_wait3A_128 = tpu.memref_slice %arg7[%dma_wait3A_127] : memref<40000xf32, #tpu.memory_space<vmem>> -> memref<10000xf32, #tpu.memory_space<vmem>>
      tpu.wait_dma2 semaphore(%run_scoped3A : memref<!tpu.dma_semaphore, #tpu.memory_space<semaphore_mem>>) src(%dma_wait3A_128 : memref<10000xf32, #tpu.memory_space<vmem>>) dst(%dma_wait3A_126 : memref<10000xf32, #tpu.memory_space<hbm>>)
      tpu.yield
    }) : () -> ()
    %add3A_108 = arith.constant 3 : i32
    %add3A_109 = arith.addi %mul3A_2, %add3A_108 : i32
    "tpu.region"() ({
      %run_scoped3A = tpu.sem_alloc : memref<!tpu.dma_semaphore, #tpu.memory_space<semaphore_mem>>
      %dma_start3A_110 = arith.constant 30000 : i32
      %dma_start3A_111 = tpu.memref_slice %arg7[%dma_start3A_110] : memref<40000xf32, #tpu.memory_space<vmem>> -> memref<10000xf32, #tpu.memory_space<vmem>>
      %dma_start3A_112 = arith.constant 0 : i32
      %dma_start3A_113 = tpu.memref_slice %arg5[%add3A_109, %dma_start3A_112] : memref<128x10000xf32, #tpu.memory_space<hbm>> -> memref<1x10000xf32, #tpu.memory_space<hbm>>
      %dma_start3A_114 = tpu.memref_squeeze %dma_start3A_113 : memref<1x10000xf32, #tpu.memory_space<hbm>> -> memref<10000xf32, #tpu.memory_space<hbm>>
      %dma_start3A_115 = arith.constant 0 : i32
      %dma_start3A_116 = tpu.memref_slice %arg5[%add3A_109, %dma_start3A_115] : memref<128x10000xf32, #tpu.memory_space<hbm>> -> memref<1x10000xf32, #tpu.memory_space<hbm>>
      %dma_start3A_117 = tpu.memref_squeeze %dma_start3A_116 : memref<1x10000xf32, #tpu.memory_space<hbm>> -> memref<10000xf32, #tpu.memory_space<hbm>>
      %dma_start3A_118 = arith.constant 30000 : i32
      %dma_start3A_119 = tpu.memref_slice %arg7[%dma_start3A_118] : memref<40000xf32, #tpu.memory_space<vmem>> -> memref<10000xf32, #tpu.memory_space<vmem>>
      tpu.enqueue_dma source(%dma_start3A_119 : memref<10000xf32, #tpu.memory_space<vmem>>) target(%dma_start3A_117 : memref<10000xf32, #tpu.memory_space<hbm>>) target_semaphore(%run_scoped3A : memref<!tpu.dma_semaphore, #tpu.memory_space<semaphore_mem>>)
      %dma_wait3A = arith.constant 30000 : i32
      %dma_wait3A_120 = tpu.memref_slice %arg7[%dma_wait3A] : memref<40000xf32, #tpu.memory_space<vmem>> -> memref<10000xf32, #tpu.memory_space<vmem>>
      %dma_wait3A_121 = arith.constant 0 : i32
      %dma_wait3A_122 = tpu.memref_slice %arg5[%add3A_109, %dma_wait3A_121] : memref<128x10000xf32, #tpu.memory_space<hbm>> -> memref<1x10000xf32, #tpu.memory_space<hbm>>
      %dma_wait3A_123 = tpu.memref_squeeze %dma_wait3A_122 : memref<1x10000xf32, #tpu.memory_space<hbm>> -> memref<10000xf32, #tpu.memory_space<hbm>>
      %dma_wait3A_124 = arith.constant 0 : i32
      %dma_wait3A_125 = tpu.memref_slice %arg5[%add3A_109, %dma_wait3A_124] : memref<128x10000xf32, #tpu.memory_space<hbm>> -> memref<1x10000xf32, #tpu.memory_space<hbm>>
      %dma_wait3A_126 = tpu.memref_squeeze %dma_wait3A_125 : memref<1x10000xf32, #tpu.memory_space<hbm>> -> memref<10000xf32, #tpu.memory_space<hbm>>
      %dma_wait3A_127 = arith.constant 30000 : i32
      %dma_wait3A_128 = tpu.memref_slice %arg7[%dma_wait3A_127] : memref<40000xf32, #tpu.memory_space<vmem>> -> memref<10000xf32, #tpu.memory_space<vmem>>
      tpu.wait_dma2 semaphore(%run_scoped3A : memref<!tpu.dma_semaphore, #tpu.memory_space<semaphore_mem>>) src(%dma_wait3A_128 : memref<10000xf32, #tpu.memory_space<vmem>>) dst(%dma_wait3A_126 : memref<10000xf32, #tpu.memory_space<hbm>>)
      tpu.yield
    }) : () -> ()
    return
  }
}

</mosaic_0001>

<sc_bundles>
// kernel: kernel.3.cloned.1.call-start
scs
__scs_entry_jumppad:
0x0: {  	(pc) =	sbr.rel $0x88, $3  }
0x1: {  	(tag) =	ssettag $0x0;
	lr =	simm.s32 $0x1  }
0x2: {  	[smem:$0x3F9E] =	sst lr;
	_ =	strace $0xD0000000  }
0x3: {  	_ = 	snop  }
0x4: {  	_ = 	snop  }
0x5: {  	_ = 	snop  }
0x6: {  	_ = 	snop  }
0x7: {  	_ = 	snop  }
__scs_overlays_trampoline_lowered:
0x8: {  	[smem:$0x3FAD] =	sst s0  }
0x9: {  	[smem:$0x3FAE] =	sst s1  }
0xa: {  	[smem:$0x3FAF] =	sst s2  }
0xb: {  	[smem:$0x3FB0] =	sst s3  }
0xc: {  	[smem:$0x3FB1] =	sst s4  }
0xd: {  	[smem:$0x3FB2] =	sst s5  }
0xe: {  	[smem:$0x3FB3] =	sst s6  }
0xf: {  	[smem:$0x3FB4] =	sst s7  }
0x10: {  	[smem:$0x3FB5] =	sst s8  }
0x11: {  	[smem:$0x3FB6] =	sst s9;
	s0 =	simm.s32 @!p0 $0x0  }
0x12: {  	s1 =	sld [smem:$0x3F9C];
	s0 =	simm.s32 @p0 $0x1  }
0x13: {  	[smem:$0x3FB7] =	sst s0;
	s0 =	simm.s32 @!p1 $0x0  }
0x14: {  	s2 =	sld [smem:$0x3F9B];
	s0 =	simm.s32 @p1 $0x1  }
0x15: {  	[smem:$0x3FB8] =	sst s0;
	s0 =	simm.s32 @!p2 $0x0  }
0x16: {  	s3 =	sld [smem:$0x3FDB];
	s0 =	simm.s32 @p2 $0x1  }
0x17: {  	s4 =	simm.s32 $0x1BF5;
	[smem:$0x3FBA] =	sst s0  }
0x18: {  	s0 =	sld [smem:$0x3F9D];
	_ =	swait.ge [sflag:s4], $0x0  }
0x19: {  	s7 =	sld [smem:$0x3F9E]  }
0x1a: {  	s8 =	sadd.s32 $0xFFFFE003, lr  }
0x1b: {  	s9 =	sadd.s32 $0xFFFFFEF7, lr;
	s5 =	simm.s32 $0xFFFFFFFF;
	p2 =	slt.u32 s8, $0xFFFFF086  }
0x1c: {  	p1 =	slt.u32 s9, $0xF7A;
	s5 =	simm.s32 @!p2 $0x0  }
0x1d: {  	s5 =	simm.s32 @p1 $0x1;
	p0 =	seq.s32 s7, s2  }
0x1e: {  	s7 =	smul.u32 @!p0 $0xF7A, s2;
	p2 =	seq.s32 @!p0 s5, $0x0  }
0x1f: {  	s9 =	smul.u32 $0xF7A, s1;
	s8 =	simm.s32 @!p0 $0x1BF5;
	p2 =	por !p2, p0  }
0x20: {  	[sflag:s8] =	ssyncset.s32 @!p0 $0xFFFFF086;
	s6 =	sadd.s32 @!p0 s3, s7;
	s7 =	simm.s32 @!p0 $0x108  }
0x21: {  	s3 =	sadd.s32 s3, s9;
	s6 =	sadd.s32 @!p0 $0x88, s6;
	s7 =	simm.s32 @p2 $0x1082  }
0x22: {  	[simem:s7], [sflag:s8] =	dma.local @!p0 [hbm:s6], $0xF7A  }
0x23: {  	s9 =	sor.u32 $0xD0000000, s2;
	s6 =	simm.s32 $0x108;
	_ =	swait.ge @!p0 [sflag:s8], $0x0  }
0x24: {  	s3 =	sadd.s32 $0x88, s3;
	s6 =	simm.s32 @!p1 $0x1082;
	[sflag:s4] =	ssyncset.s32 $0xFFFFF086  }
0x25: {  	[simem:s6], [sflag:s4] =	dma.local [hbm:s3], $0xF7A  }
0x26: {  	[smem:$0x3F9E] =	sst s1;
	(tag) =	ssettag s2;
	_ =	strace s9  }
0x27: {  	s1 =	sld [smem:$0x3FAE]  }
0x28: {  	s2 =	sld [smem:$0x3FAF]  }
0x29: {  	s4 =	sld [smem:$0x3FB1]  }
0x2a: {  	p0 =	seq.s32 s5, $0x0;
	s5 =	sld [smem:$0x3FB2]  }
0x2b: {  	s6 =	sld [smem:$0x3FB3]  }
0x2c: {  	s7 =	sld [smem:$0x3FB4]  }
0x2d: {  	s3 =	simm.s32 $0x108;
	s8 =	sld [smem:$0x3FB5]  }
0x2e: {  	s3 =	simm.s32 @!p0 $0x1082;
	s9 =	sld [smem:$0x3FB6]  }
0x2f: {  	lr =	sadd.s32 s0, s3;
	s0 =	sld [smem:$0x3FAD]  }
0x30: {  	s3 =	sld [smem:$0x3FB0]  }
0x31: {  	[smem:$0x3FB9] =	sst s10  }
0x32: {  	s10 =	sld [smem:$0x3FB7];
	_ =	sdelay $0x3  }
0x33: {  	p0 =	seq.s32 s10, $0x1;
	s10 =	sld [smem:$0x3FB9];
	_ =	sdelay $0x3  }
0x34: {  	[smem:$0x3FB9] =	sst s10  }
0x35: {  	s10 =	sld [smem:$0x3FB8];
	_ =	sdelay $0x3  }
0x36: {  	p1 =	seq.s32 s10, $0x1;
	s10 =	sld [smem:$0x3FB9];
	_ =	sdelay $0x3  }
0x37: {  	[smem:$0x3FB9] =	sst s10  }
0x38: {  	s10 =	sld [smem:$0x3FBA]  }
0x39: {  	_ = 	snop;
	(pc) =	sbr.ind lr, $3  }
0x3a: {  	_ = 	snop  }
0x3b: {  	_ = 	snop  }
0x3c: {  	p2 =	seq.s32 s10, $0x1;
	s10 =	sld [smem:$0x3FB9]  }
0x3d: {  	_ =	shalt  }
0x3e: {  	_ =	shalt  }
0x3f: {  	_ =	shalt  }
0x40: {  	_ =	shalt  }
0x41: {  	_ =	shalt  }
0x42: {  	_ =	shalt  }
0x43: {  	_ =	shalt  }
0x44: {  	_ =	shalt  }
0x45: {  	_ =	shalt  }
0x46: {  	_ =	shalt  }
0x47: {  	_ =	shalt  }
0x48: {  	_ =	shalt  }
0x49: {  	_ =	shalt  }
0x4a: {  	_ =	shalt  }
0x4b: {  	_ =	shalt  }
0x4c: {  	_ =	shalt  }
0x4d: {  	_ =	shalt  }
0x4e: {  	_ =	shalt  }
0x4f: {  	_ =	shalt  }
0x50: {  	_ =	shalt  }
0x51: {  	_ =	shalt  }
0x52: {  	_ =	shalt  }
0x53: {  	_ =	shalt  }
0x54: {  	_ =	shalt  }
0x55: {  	_ =	shalt  }
0x56: {  	_ =	shalt  }
0x57: {  	_ =	shalt  }
0x58: {  	_ =	shalt  }
0x59: {  	_ =	shalt  }
0x5a: {  	_ =	shalt  }
0x5b: {  	_ =	shalt  }
0x5c: {  	_ =	shalt  }
0x5d: {  	_ =	shalt  }
0x5e: {  	_ =	shalt  }
0x5f: {  	_ =	shalt  }
0x60: {  	_ =	shalt  }
0x61: {  	_ =	shalt  }
0x62: {  	_ =	shalt  }
0x63: {  	_ =	shalt  }
0x64: {  	_ =	shalt  }
0x65: {  	_ =	shalt  }
0x66: {  	_ =	shalt  }
0x67: {  	_ =	shalt  }
0x68: {  	_ =	shalt  }
0x69: {  	_ =	shalt  }
0x6a: {  	_ =	shalt  }
0x6b: {  	_ =	shalt  }
0x6c: {  	_ =	shalt  }
0x6d: {  	_ =	shalt  }
0x6e: {  	_ =	shalt  }
0x6f: {  	_ =	shalt  }
0x70: {  	_ =	shalt  }
0x71: {  	_ =	shalt  }
0x72: {  	_ =	shalt  }
0x73: {  	_ =	shalt  }
0x74: {  	_ =	shalt  }
0x75: {  	_ =	shalt  }
0x76: {  	_ =	shalt  }
0x77: {  	_ =	shalt  }
0x78: {  	_ =	shalt  }
0x79: {  	_ =	shalt  }
0x7a: {  	_ =	shalt  }
0x7b: {  	_ =	shalt  }
0x7c: {  	_ =	shalt  }
0x7d: {  	_ =	shalt  }
0x7e: {  	_ =	shalt  }
0x7f: {  	_ =	shalt  }
0x80: {  	_ =	shalt  }
0x81: {  	_ =	shalt  }
0x82: {  	_ =	shalt  }
0x83: {  	_ =	shalt  }
0x84: {  	_ =	shalt  }
0x85: {  	_ =	shalt  }
0x86: {  	_ =	shalt  }
0x87: {  	_ =	shalt  }
.Lfunc_end0:
.L_simem_size_0:
called_computation_lowered:
.L_overlay_start_0:
0x88: {  	s2 =	sld [smem:$0x3FD9]  }
0x89: {  	s3 =	sld [smem:$0x3FFE];
	_ =	sdelay $0x1  }
0x8a: {  	s1 =	srdreg.scid  }
0x8b: {  	s0 =	sand.u32 $0x1, s1  }
0x8c: {  	s17 =	sshll.u32 s0, $0xA;
	s2 =	sadd.s32 s3, s2  }
0x8d: {  	s2 =	sadd.s32 s2, s17  }
0x8e: {  	[smem:$0x3FC5] =	sst s2  }
0x8f: {  	_ = 	snop  }
0x90: {  	s2 =	sld [smem:$0x3FC7]  }
0x91: {  	s18 =	sld [smem:$0x3FD0];
	(tm) =	ssettm $0x1  }
0x92: {  	s4 =	sld [smem:$0x3FFB];
	_ =	sdelay $0x3  }
0x93: {  	_ =	strace s4  }
0x94: {  	s4 =	sld [smem:$0x3FFC];
	_ =	sdelay $0x3  }
0x95: {  	_ =	strace s4  }
0x96: {  	s4 =	sld [smem:$0x3FFD];
	_ =	sdelay $0x3  }
0x97: {  	_ =	strace s4  }
0x98: {  	_ =	strace $0x8FFFFFFF  }
0x99: {  	s19 =	sld [smem:$0x3FDB];
	_ =	sdelay $0x1  }
0x9a: {  	s5 =	simm.s32 $_scs_section_size  }
0x9b: {  	s6 =	simm.s32 $_size__tile_overlayer_lowered;
	s7 =	simm.s32 $_tile_overlayer_lowered  }
0x9c: {  	s22 =	simm.s32 $0x1BFF;
	s21 =	sshll.u32 s7, $0x1;
	s4 =	sadd.s32 s5, s19  }
0x9d: {  	s8 =	simm.s32 $0x0;
	s20 =	sshll.u32 s6, $0x1;
	s6 =	sadd.s32 s21, s4  }
0x9e: {  	[timem:s8], [sflag:s22] =	dma.local [hbm:s6], s20  }
0x9f: {  	_ =	swait.ge [sflag:s22], s20  }
0xa0: {  	s5 =	ssub.s32 $0x0, s20;
	[sflag:s22] =	ssyncset.done $0x0  }
0xa1: {  	[sflag:s22] =	ssyncadd.s32 s5;
	_ =	sdelay $0x1  }
0xa2: {  	s23 =	simm.s32 $0x1B8B  }
0xa3: {  	_ =	swait.ge [sflag:s23], $0x1  }
0xa4: {  	[sflag:s23] =	ssyncset.done $0x0  }
0xa5: {  	s25 =	simm.s32 $0x1B8E;
	s24 =	sld [smem:$0x3FFE];
	[sflag:s23] =	ssyncadd.s32 $0xFFFFFFFF  }
0xa6: {  	s26 =	simm.s32 $execute0_lowered;
	[smem:$0x3FD2] =	sst s25  }
0xa7: {  	s6 =	sshll.u32 s26, $0x1;
	_ =	strace $0x80000046;
	[dreg:$0x1] =	wrdreg $0xFFFFFFFF  }
0xa8: {  	s28 =	simm.s32 $_size_execute0_lowered;
	s4 =	sadd.s32 s4, s6;
	[dreg:$0x0] =	wrdreg $0x0  }
0xa9: {  	s6 =	sshll.u32 s28, $0x1;
	[dreg:$0x2] =	wrdreg s4  }
0xaa: {  	[dreg:$0x3] =	wrdreg s6  }
0xab: {  	[dreg:$0x4] =	wrdreg $0xC0  }
0xac: {  	_ =	task [dreg:s8], $0x5FFFF  }
0xad: {  	[dreg:$0x1] =	wrdreg $0xFFFFFFFF  }
0xae: {  	[dreg:$0x0] =	wrdreg $0x60  }
0xaf: {  	[dreg:$0x2] =	wrdreg s18  }
0xb0: {  	[dreg:$0x3] =	wrdreg s24  }
0xb1: {  	[dreg:$0x4] =	wrdreg s2  }
0xb2: {  	[dreg:$0x5] =	wrdreg $0x9  }
0xb3: {  	_ =	task.clear_ibuf [dreg:s8], $0x6FFFF;
	_ =	strace $0x90000046  }
0xb4: {  	s29 =	simm.s32 $0x9;
	_ =	strace $0x80000048  }
0xb5: {  	_ =	swait.ge [sflag:s29], $0x1  }
0xb6: {  	[sflag:s29] =	ssyncadd.s32 $0xFFFFFFFF  }
0xb7: {  	_ =	strace $0x90000048  }
0xb8: {  	_ =	sfence  }
0xb9: {  	s30 =	sld [smem:$0x0];
	_ =	sdelay $0x2  }
0xba: {  	s31 =	sshll.u32 s1, $0xD;
	s1 =	sshrl.u32 s1, $0x2  }
0xbb: {  	s3 =	sand.u32 $0x4000, s31;
	s1 =	sadd.s32 s1, s30  }
0xbc: {  	s0 =	sor.u32 s3, s0;
	s1 =	sshll.u32 s1, $0x11  }
0xbd: {  	s0 =	sor.u32 s1, s0  }
0xbe: {  	s0 =	sadd.s32 $0x8F2B, s0  }
0xbf: {  	[sflag:s0] =	ssyncadd.remote.s32 $0x1  }
0xc0: {  	_ =	sfence.sel $0xFFFF  }
0xc1: {  	[dreg:$0x0] =	wrdreg $0xFFFFFFFF;
	(pc) =	sbr.abs _section_cstart, $3  }
0xc2: {  	[dreg:$0x1] =	wrdreg $0xFFFFFFFF  }
0xc3: {  	_ =	task.clear_ibuf [dreg:s8], $0x2FFFF;
	_ =	strace $0x9FFFFFFF  }
0xc4: {  	(tm) =	ssettm $0x7FFFFFFF  }
0xc5: {  	_ =	shalt  }
tec
execute0_lowered:
.L_overlay_start_1:
0x0: {  	(tag) =	ssettag $0x1  }
0x1: {  	s8 =	rddreg [dreg:$0x0]  }
0x2: {  	s5 =	rddreg [dreg:$0x1]  }
0x3: {  	s2 =	rddreg [dreg:$0x2];
	s3 =	srdreg.scid  }
0x4: {  	s0 =	rddreg [dreg:$0x3];
	s1 =	stileid.u32  }
0x5: {  	s16 =	simm.s32 $0x7530;
	s17 =	simm.s32 $0x9C40;
	s18 =	simm.s32 $0xC350  }
0x6: {  	s19 =	simm.s32 $0xEA60;
	s20 =	simm.s32 $0x128E0;
	s4 =	sand.u32 $0x1, s3  }
0x7: {  	s21 =	simm.s32 $0x1;
	s7 =	sshll.u32 s1, $0x2;
	s6 =	sshll.u32 s4, $0x6  }
0x8: {  	s22 =	simm.s32 $0x0;
	s3 =	simm.s32 $0x0;
	s6 =	sor.u32 s7, s6  }
0x9: {  	s12 =	sadd.s32 $0xA000, s5;
	s30 =	ssub.s32 $0x2, s4;
	s9 =	smul.u32 $0x2710, s6  }
0xa: {  	[smem:$0x7FF] =	sst s3;
	s10 =	sshrl.u32 s30, $0x1;
	s11 =	smul.u32 $0x4E2, s6  }
0xb: {  	s4 =	sadd.s32 $0x200, s5;
	_ =	strace $0x80000047;
	s13 =	ssub.s32 s30, s10  }
0xc: {  	s13 =	smax.u32 s13, $0x1;
	s9 =	sshrl.u32 s9, $0x3;
	s5 =	sadd.s32 s8, s11  }
0xd: {  	s31 =	sadd.s32 $0x4E2, s9;
	s14 =	sadd.s32 $0x9C4, s9;
	s15 =	sadd.s32 $0xEA6, s9  }
0xe: {  	s9 =	sadd.s32 s12, s11;
	s6 =	sadd.s32 s8, s31;
	s7 =	sadd.s32 s8, s14  }
0xf: {  	s8 =	sadd.s32 s8, s15;
	s10 =	sadd.s32 s12, s31;
	s11 =	sadd.s32 s12, s14  }
0x10: {  	v0 =	vimm.f32 $0.0e+00;
	s12 =	sadd.s32 s12, s15;
	s14 =	simm.s32 $0x4E20;
	s15 =	simm.s32 $0x2  }
.LBB2_1:
0x11: {  	[tilespmem:s14], [sflag:$0x2] =	stream.linear.gather [hbm4b:s5+s3], $0x2710, $0x38;
	[tilespmem:$0x16760] =	vst v63  }
0x12: {  	_ =	swait.ge [sflag:s15], $0x2710  }
0x13: {  	[sflag:s15] =	ssyncset.done $0x0  }
0x14: {  	[sflag:s15] =	ssyncadd.s32 $0xFFFFD8F0  }
0x15: {  	[tilespmem:s16], [sflag:$0x2] =	stream.linear.gather [hbm4b:s6+s3], $0x2710, $0x38;
	[tilespmem:$0x16760] =	vst v63  }
0x16: {  	_ =	swait.ge [sflag:s15], $0x2710  }
0x17: {  	[sflag:s15] =	ssyncset.done $0x0  }
0x18: {  	[sflag:s15] =	ssyncadd.s32 $0xFFFFD8F0  }
0x19: {  	[tilespmem:s17], [sflag:$0x2] =	stream.linear.gather [hbm4b:s7+s3], $0x2710, $0x38;
	[tilespmem:$0x16760] =	vst v63  }
0x1a: {  	_ =	swait.ge [sflag:s15], $0x2710  }
0x1b: {  	[sflag:s15] =	ssyncset.done $0x0  }
0x1c: {  	[sflag:s15] =	ssyncadd.s32 $0xFFFFD8F0  }
0x1d: {  	[tilespmem:s18], [sflag:$0x2] =	stream.linear.gather [hbm4b:s8+s3], $0x2710, $0x38;
	[tilespmem:$0x16760] =	vst v63  }
0x1e: {  	_ =	swait.ge [sflag:s15], $0x2710  }
0x1f: {  	[sflag:s15] =	ssyncset.done $0x0  }
0x20: {  	s23 =	simm.s32 $0x0;
	[sflag:s15] =	ssyncadd.s32 $0xFFFFD8F0  }
0x21: {  	v1 =	vld [tilespmem:s23+$0x9C70]  }
0x22: {  	v2 =	vld [tilespmem:s23+$0xC380]  }
0x23: {  	v3 =	vld [tilespmem:s23+$0x4E20]  }
0x24: {  	v4 =	vld [tilespmem:s23+$0x7530]  }
0x25: {  	v5 =	vld [tilespmem:s23+$0x9C40]  }
0x26: {  	v6 =	vld [tilespmem:s23+$0xC350]  }
0x27: {  	v7 =	vld [tilespmem:s23+$0x4E30]  }
0x28: {  	v8 =	vld [tilespmem:s23+$0x7540];
	v1 =	vadd.s32 $0x8000, v1;
	v2 =	vadd.s32 $0x8000, v2  }
0x29: {  	v9 =	vld [tilespmem:s23+$0x9C50];
	v3 =	vadd.s32 $0x8000, v3;
	v1 =	vshrl.u32 v1, $0x10;
	v2 =	vand.u32 $0xFFFF0000, v2  }
0x2a: {  	v11 =	vld [tilespmem:s23+$0xC360];
	v4 =	vadd.s32 $0x8000, v4;
	v3 =	vshrl.u32 v3, $0x10;
	v10 =	vor.u32 v1, v2  }
0x2b: {  	v2 =	vand.u32 $0xFFFF0000, v4;
	v4 =	vadd.s32 $0x8000, v5;
	v5 =	vadd.s32 $0x8000, v6;
	v1 =	vld [tilespmem:s23+$0x4E40]  }
0x2c: {  	v6 =	vor.u32 v3, v2;
	v3 =	vshrl.u32 v4, $0x10;
	v4 =	vand.u32 $0xFFFF0000, v5;
	v2 =	vld [tilespmem:s23+$0x7550]  }
0x2d: {  	[tilespmem:s23+$0x2740] =	vst v10;
	v5 =	vadd.s32 $0x8000, v7;
	v7 =	vor.u32 v3, v4;
	v4 =	vadd.s32 $0x8000, v8;
	v3 =	vld [tilespmem:s23+$0x9C60]  }
0x2e: {  	v9 =	vadd.s32 $0x8000, v9;
	[tilespmem:s23+$0x0] =	vst v6;
	v5 =	vshrl.u32 v5, $0x10;
	v6 =	vand.u32 $0xFFFF0000, v4;
	v4 =	vld [tilespmem:s23+$0xC370]  }
0x2f: {  	s24 =	simm.s32 $0x0;
	s25 =	simm.s32 $0x100;
	v8 =	vadd.s32 $0x8000, v11;
	[tilespmem:s23+$0x2710] =	vst v7;
	v7 =	vshrl.u32 v9, $0x10;
	v6 =	vor.u32 v5, v6;
	v5 =	vld [tilespmem:s23+$0x4E50]  }
.LBB2_2:
0x30: {  	s26 =	sshra.s32 s25, $0x2;
	[tilespmem:s23+$0x10] =	vst v6;
	v6 =	vand.u32 $0xFFFF0000, v8;
	v1 =	vadd.s32 $0x8000, v1;
	v8 =	vld [tilespmem:s23+$0x7560]  }
0x31: {  	s24 =	sadd.s32 $0x4, s24;
	v9 =	vld [tilespmem:s26+$0x9C70];
	v6 =	vor.u32 v7, v6;
	v2 =	vadd.s32 $0x8000, v2;
	v1 =	vshrl.u32 v1, $0x10  }
0x32: {  	p0 =	slt.u32 s24, $0x26C;
	v7 =	vld [tilespmem:s26+$0xC380];
	[tilespmem:s23+$0x2720] =	vst v6;
	v2 =	vand.u32 $0xFFFF0000, v2;
	v3 =	vadd.s32 $0x8000, v3  }
0x33: {  	v6 =	vld [tilespmem:s26+$0x4E20];
	v1 =	vor.u32 v1, v2;
	v2 =	vadd.s32 $0x8000, v4;
	v3 =	vshrl.u32 v3, $0x10  }
0x34: {  	v4 =	vld [tilespmem:s26+$0x7530];
	[tilespmem:s23+$0x20] =	vst v1;
	v1 =	vand.u32 $0xFFFF0000, v2;
	v2 =	vadd.s32 $0x8000, v5  }
0x35: {  	v5 =	vld [tilespmem:s26+$0x9C40];
	v1 =	vor.u32 v3, v1;
	v3 =	vadd.s32 $0x8000, v8;
	v2 =	vshrl.u32 v2, $0x10  }
0x36: {  	v8 =	vld [tilespmem:s26+$0xC350];
	[tilespmem:s23+$0x2730] =	vst v1;
	v1 =	vand.u32 $0xFFFF0000, v3  }
0x37: {  	v9 =	vadd.s32 $0x8000, v9;
	v3 =	vld [tilespmem:s26+$0x4E30];
	v7 =	vadd.s32 $0x8000, v7;
	v1 =	vor.u32 v2, v1  }
0x38: {  	v9 =	vshrl.u32 v9, $0x10;
	v2 =	vadd.s32 $0x8000, v6;
	v6 =	vld [tilespmem:s26+$0x7540];
	v7 =	vand.u32 $0xFFFF0000, v7;
	[tilespmem:s23+$0x30] =	vst v1;
	s23 =	smov.u32 s26  }
0x39: {  	v1 =	vadd.s32 $0x8000, v4;
	v2 =	vshrl.u32 v2, $0x10;
	v4 =	vld [tilespmem:s23+$0x9C50];
	v7 =	vor.u32 v9, v7  }
0x3a: {  	v1 =	vand.u32 $0xFFFF0000, v1;
	v5 =	vadd.s32 $0x8000, v5;
	v9 =	vld [tilespmem:s23+$0xC360];
	[tilespmem:s23+$0x2740] =	vst v7  }
.Ltmp0:
0x3b: {  	v2 =	vor.u32 v2, v1;
	v7 =	vadd.s32 $0x8000, v8;
	v5 =	vshrl.u32 v5, $0x10;
	v1 =	vld [tilespmem:s23+$0x4E40];
	(pc) =	sbr.rel @p0 .LBB2_2-.Ltmp0, $4  }
0x3c: {  	[tilespmem:s23+$0x0] =	vst v2;
	v7 =	vand.u32 $0xFFFF0000, v7;
	v3 =	vadd.s32 $0x8000, v3;
	v2 =	vld [tilespmem:s23+$0x7550]  }
0x3d: {  	v5 =	vor.u32 v5, v7;
	v6 =	vadd.s32 $0x8000, v6;
	v7 =	vshrl.u32 v3, $0x10;
	v3 =	vld [tilespmem:s23+$0x9C60]  }
0x3e: {  	[tilespmem:s23+$0x2710] =	vst v5;
	v5 =	vand.u32 $0xFFFF0000, v6;
	v10 =	vadd.s32 $0x8000, v4;
	v4 =	vld [tilespmem:s23+$0xC370]  }
0x3f: {  	s25 =	sadd.s32 $0x100, s25;
	v6 =	vor.u32 v7, v5;
	v8 =	vadd.s32 $0x8000, v9;
	v7 =	vshrl.u32 v10, $0x10;
	v5 =	vld [tilespmem:s23+$0x4E50]  }
0x40: {  	v9 =	vld [tilespmem:s23+$0x7560]  }
0x41: {  	v8 =	vand.u32 $0xFFFF0000, v8  }
0x42: {  	v1 =	vadd.s32 $0x8000, v1;
	v7 =	vor.u32 v7, v8;
	v2 =	vadd.s32 $0x8000, v2  }
0x43: {  	v1 =	vshrl.u32 v1, $0x10;
	v2 =	vand.u32 $0xFFFF0000, v2;
	v3 =	vadd.s32 $0x8000, v3  }
0x44: {  	[tilespmem:s23+$0x10] =	vst v6;
	v1 =	vor.u32 v1, v2;
	v2 =	vadd.s32 $0x8000, v4;
	v3 =	vshrl.u32 v3, $0x10  }
0x45: {  	[tilespmem:s23+$0x2720] =	vst v7;
	v2 =	vand.u32 $0xFFFF0000, v2;
	v61 =	vadd.s32 $0x8000, v5;
	v62 =	vadd.s32 $0x8000, v9  }
0x46: {  	[tilespmem:s23+$0x20] =	vst v1;
	v1 =	vor.u32 v3, v2;
	v2 =	vshrl.u32 v61, $0x10;
	v3 =	vand.u32 $0xFFFF0000, v62  }
0x47: {  	[tilespmem:s23+$0x2730] =	vst v1;
	v1 =	vor.u32 v2, v3  }
0x48: {  	[tilespmem:s23+$0x30] =	vst v1  }
0x49: {  	v1 =	vld [tilespmem:$0x7520]  }
0x4a: {  	v2 =	vld [tilespmem:$0x9C30]  }
0x4b: {  	v3 =	vld [tilespmem:$0xC340]  }
0x4c: {  	v63 =	vld [tilespmem:$0xEA50];
	_ =	sdelay $0x3  }
0x4d: {  	v1 =	vadd.s32 $0x8000, v1;
	v2 =	vadd.s32 $0x8000, v2;
	v3 =	vadd.s32 $0x8000, v3  }
0x4e: {  	v4 =	vadd.s32 $0x8000, v63;
	v1 =	vshrl.u32 v1, $0x10;
	v2 =	vand.u32 $0xFFFF0000, v2  }
0x4f: {  	v1 =	vor.u32 v1, v2;
	v2 =	vshrl.u32 v3, $0x10;
	v3 =	vand.u32 $0xFFFF0000, v4  }
0x50: {  	[tilespmem:$0x2700] =	vst v1;
	v1 =	vor.u32 v2, v3  }
0x51: {  	s23 =	simm.s32 $0x4E60;
	[tilespmem:$0x4E10] =	vst v1  }
0x52: {  	[tilespmem:s23+$0xFFFFFFC0] =	vst v0  }
0x53: {  	[tilespmem:s23+$0x30] =	vst v0  }
0x54: {  	[tilespmem:s23+$0x20] =	vst v0  }
0x55: {  	[tilespmem:s23+$0x10] =	vst v0  }
0x56: {  	[tilespmem:s23+$0x0] =	vst v0  }
0x57: {  	[tilespmem:s23+$0xFFFFFFF0] =	vst v0  }
0x58: {  	s24 =	simm.s32 $0x0;
	[tilespmem:s23+$0xFFFFFFE0] =	vst v0  }
.LBB2_4:
0x59: {  	s24 =	sadd.s32 $0x8, s24;
	[tilespmem:s23+$0xFFFFFFD0] =	vst v0;
	s23 =	sadd.s32 $0x80, s23  }
0x5a: {  	[tilespmem:s23+$0xFFFFFFC0] =	vst v0;
	p0 =	slt.u32 s24, $0x9B8  }
0x5b: {  	[tilespmem:s23+$0x30] =	vst v0  }
.Ltmp1:
0x5c: {  	[tilespmem:s23+$0x20] =	vst v0;
	(pc) =	sbr.rel @p0 .LBB2_4-.Ltmp1, $4  }
0x5d: {  	[tilespmem:s23+$0x10] =	vst v0  }
0x5e: {  	[tilespmem:s23+$0x0] =	vst v0  }
0x5f: {  	[tilespmem:s23+$0xFFFFFFF0] =	vst v0  }
0x60: {  	[tilespmem:s23+$0xFFFFFFE0] =	vst v0  }
0x61: {  	[tilespmem:s23+$0xFFFFFFD0] =	vst v0;
	s23 =	simm.s32 $0x0  }
.LBB2_6:
0x62: {  	p0 =	sne.s32 s23, $0xC0  }
.Ltmp2:
0x63: {  	_ = 	snop;
	(pc) =	sbr.rel @p0 .LBB2_6-.Ltmp2, $3  }
0x64: {  	_ =	sdelay $0x1  }
0x65: {  	s24 =	sshra.s32 s23, $0x2  }
0x66: {  	s23 =	sadd.s32 $0x40, s23;
	[tilespmem:s24+$0xEA20] =	vst v0  }
0x67: {  	s23 =	simm.s32 $0x0  }
0x68: {  	[tilespmem:s19], [sflag:$0x1] =	stream.linear.gather [hbm4b:s4+s23], $0x1F40, $0x38;
	[tilespmem:$0x16760] =	vst v63  }
0x69: {  	p0 =	por $0x0, $0x0  }
0x6a: {  	[tilespmem:s20], [sflag:$0x1] =	stream.linear.gather [hbm4b:s2+s23], $0x1F40, $0x38;
	[tilespmem:$0x16760] =	vst v63  }
.LBB2_9:
0x6b: {  	s24 =	simm.s32 $0x1;
	_ =	swait.ge [sflag:s21], $0x1F40  }
0x6c: {  	s25 =	sand.u32 $0x1, s23;
	p1 =	seq.s32 s23, $0x27;
	s23 =	sadd.s32 $0x1, s23  }
0x6d: {  	s24 =	simm.s32 @!p0 $0x0;
	[sflag:s21] =	ssyncset.done $0x0;
	s28 =	smul.u32 @!p1 $0x3E8, s23  }
0x6e: {  	s25 =	sxor.u32 @!p1 $0x1, s25;
	s24 =	smul.u32 $0x7D00, s24;
	[sflag:s21] =	ssyncadd.s32 $0xFFFFE0C0  }
0x6f: {  	s26 =	smul.u32 @!p1 $0x1F40, s25;
	_ =	swait.ge [sflag:s21], $0x1F40  }
0x70: {  	s30 =	simm.s32 @!p1 $0x0;
	s29 =	sadd.s32 @!p1 s4, s28;
	[sflag:s21] =	ssyncset.done $0x0  }
0x71: {  	s24 =	sshrl.u32 s24, $0x2;
	s25 =	sadd.s32 @!p1 $0xEA60, s26;
	[sflag:s21] =	ssyncadd.s32 $0xFFFFE0C0  }
0x72: {  	[tilespmem:s25], [sflag:$0x1] =	stream.linear.gather @!p1 [hbm4b:s29+s30], $0x1F40, $0x38;
	[tilespmem:$0x16760] =	vst v63  }
0x73: {  	s28 =	sadd.s32 @!p1 s2, s28;
	s26 =	sadd.s32 @!p1 $0x128E0, s26;
	s29 =	sadd.s32 $0xEA80, s24  }
0x74: {  	[tilespmem:s26], [sflag:$0x1] =	stream.linear.gather @!p1 [hbm4b:s28+s30], $0x1F40, $0x38;
	[tilespmem:$0x16760] =	vst v63  }
0x75: {  	v1 =	vld [tilespmem:s29+$0x10]  }
0x76: {  	v3 =	vld [tilespmem:s29+$0xFFFFFFE0];
	_ =	sdelay $0x2  }
0x77: {  	v2 =	vld [tilespmem:s29+$0xFFFFFFF0]  }
0x78: {  	v4 =	vld [tilespmem:s29+$0x0];
	v5 =	vand.u32 $0xFFFF, v1  }
0x79: {  	v8 =	vand.u32 $0xFFFF, v3;
	_ =	sdelay $0x1  }
0x7a: {  	s24 =	sadd.s32 $0x12900, s24  }
0x7b: {  	v11 =	vld [tilespmem:s24+$0x10];
	v7 =	vand.u32 $0xFFFF, v2  }
0x7c: {  	v2 =	vshrl.u32 v2, $0x10;
	v9 =	vand.u32 $0xFFFF, v4;
	v4 =	vshrl.u32 v4, $0x10;
	v10 =	vld.idx.msk [tilespmem:v5+s3+$0x0], $0xffff  }
0x7d: {  	v3 =	vshrl.u32 v3, $0x10;
	v1 =	vshrl.u32 v1, $0x10;
	v6 =	vadd.s32 $0x2710, v2;
	v16 =	vld.idx.msk [tilespmem:v8+s3+$0x0], $0xffff  }
0x7e: {  	v19 =	vld [tilespmem:s24+$0xFFFFFFE0];
	v12 =	vadd.s32 $0x2710, v4;
	v13 =	vadd.s32 $0x2710, v3;
	v15 =	vadd.s32 $0x2710, v1  }
0x7f: {  	s31 =	sadd.s32 $0x40, s29;
	v23 =	vld [tilespmem:s24+$0xFFFFFFF0];
	v17 =	vand.u32 $0x7, v1;
	v18 =	vand.u32 $0x7, v3;
	v22 =	vand.u32 $0x7, v2  }
0x80: {  	v47 =	vld [tilespmem:s31+$0xFFFFFFE0];
	v6 =	vand.u32 $0x1FFF8, v6;
	v15 =	vand.u32 $0x1FFF8, v15;
	v13 =	vand.u32 $0x1FFF8, v13  }
0x81: {  	v15 =	vor.u32 v17, v15;
	v24 =	vor.u32 v22, v6;
	v14 =	vld.idx.msk [tilespmem:v7+s3+$0x0], $0xffff;
	v21 =	vshll.u32 v10, $0x10  }
0x82: {  	v6 =	vld [tilespmem:s24+$0x0];
	v5 =	vadd.s32 $0x2710, v5;
	v26 =	vshll.u32 v16, $0x10;
	v21 =	vmul.f32 v21, v11  }
0x83: {  	v13 =	vor.u32 v18, v13;
	v20 =	vld.idx.msk [tilespmem:v9+s3+$0x0], $0xffff;
	v10 =	vand.u32 $0xFFFF0000, v10;
	v42 =	vmul.f32 v26, v19  }
0x84: {  	v25 =	vand.u32 $0x7, v4;
	v44 =	vadd.s32 $0x7530, v4;
	v10 =	vmul.f32 v10, v11;
	[tilespmem:v1+s14+$0x0] =	vst.idx.add.f32.msk $0xffff, v21  }
0x85: {  	v45 =	vadd.s32 $0x4E20, v1;
	v8 =	vadd.s32 $0x2710, v8;
	v16 =	vand.u32 $0xFFFF0000, v16;
	[tilespmem:v3+s14+$0x0] =	vst.idx.add.f32.msk $0xffff, v42  }
0x86: {  	v12 =	vand.u32 $0x1FFF8, v12;
	[tilespmem:v15+s14+$0x0] =	vst.idx.add.f32.msk $0xffff, v10;
	v10 =	vshll.u32 v14, $0x10;
	v15 =	vmul.f32 v16, v19  }
0x87: {  	v12 =	vor.u32 v25, v12;
	v7 =	vadd.s32 $0x2710, v7;
	v5 =	vld.idx.msk [tilespmem:v5+s3+$0x0], $0xffff;
	v10 =	vmul.f32 v10, v23  }
0x88: {  	v9 =	vadd.s32 $0x2710, v9;
	v43 =	vshll.u32 v20, $0x10;
	v14 =	vand.u32 $0xFFFF0000, v14;
	[tilespmem:v13+s14+$0x0] =	vst.idx.add.f32.msk $0xffff, v15  }
0x89: {  	v16 =	vadd.s32 $0x4E20, v3;
	v3 =	vadd.s32 $0x7530, v3;
	v14 =	vmul.f32 v14, v23;
	[tilespmem:v2+s14+$0x0] =	vst.idx.add.f32.msk $0xffff, v10  }
0x8a: {  	v1 =	vadd.s32 $0x7530, v1;
	v3 =	vand.u32 $0x1FFF8, v3;
	v15 =	vmul.f32 v43, v6;
	v8 =	vld.idx.msk [tilespmem:v8+s3+$0x0], $0xffff  }
0x8b: {  	v1 =	vand.u32 $0x1FFF8, v1;
	v13 =	vand.u32 $0xFFFF0000, v20;
	v3 =	vor.u32 v18, v3;
	[tilespmem:v24+s14+$0x0] =	vst.idx.add.f32.msk $0xffff, v14  }
0x8c: {  	v10 =	vadd.s32 $0x4E20, v2;
	v2 =	vadd.s32 $0x7530, v2;
	v13 =	vmul.f32 v13, v6;
	[tilespmem:v4+s14+$0x0] =	vst.idx.add.f32.msk $0xffff, v15  }
0x8d: {  	v14 =	vadd.s32 $0x4E20, v4;
	v4 =	vand.u32 $0x1FFF8, v45;
	v15 =	vand.u32 $0x1FFF8, v16;
	v16 =	vld [tilespmem:s31+$0x10]  }
0x8e: {  	v10 =	vand.u32 $0x1FFF8, v10;
	[tilespmem:v12+s14+$0x0] =	vst.idx.add.f32.msk $0xffff, v13;
	v4 =	vor.u32 v17, v4;
	v12 =	vor.u32 v17, v1  }
0x8f: {  	v1 =	vand.u32 $0x1FFF8, v2;
	v2 =	vand.u32 $0x1FFF8, v14;
	v14 =	vand.u32 $0x1FFF8, v44;
	v17 =	vld [tilespmem:s31+$0xFFFFFFF0]  }
0x90: {  	v7 =	vld.idx.msk [tilespmem:v7+s3+$0x0], $0xffff;
	v15 =	vor.u32 v18, v15;
	v10 =	vor.u32 v22, v10;
	v13 =	vshll.u32 v5, $0x10  }
0x91: {  	v5 =	vand.u32 $0xFFFF0000, v5;
	v18 =	vor.u32 v22, v1;
	v13 =	vmul.f32 v13, v11  }
0x92: {  	v1 =	vor.u32 v25, v2;
	v2 =	vor.u32 v25, v14;
	v9 =	vld.idx.msk [tilespmem:v9+s3+$0x0], $0xffff;
	v46 =	vshll.u32 v8, $0x10  }
0x93: {  	v5 =	vmul.f32 v5, v11;
	[tilespmem:v4+s14+$0x0] =	vst.idx.add.f32.msk $0xffff, v13;
	v4 =	vand.u32 $0xFFFF0000, v8;
	v8 =	vmul.f32 v46, v19  }
0x94: {  	v11 =	vld [tilespmem:s31+$0x0];
	v13 =	vshrl.u32 v17, $0x10;
	v14 =	vand.u32 $0xFFFF, v17;
	v17 =	vshrl.u32 v47, $0x10  }
0x95: {  	[tilespmem:v12+s14+$0x0] =	vst.idx.add.f32.msk $0xffff, v5;
	v5 =	vshll.u32 v7, $0x10;
	v12 =	vand.u32 $0xFFFF, v16;
	v4 =	vmul.f32 v4, v19  }
0x96: {  	v7 =	vand.u32 $0xFFFF0000, v7;
	v48 =	vand.u32 $0x7, v13;
	v16 =	vshrl.u32 v16, $0x10;
	[tilespmem:v15+s14+$0x0] =	vst.idx.add.f32.msk $0xffff, v8  }
0x97: {  	s24 =	sadd.s32 $0x40, s24;
	v28 =	vadd.s32 $0x2710, v14;
	v5 =	vmul.f32 v5, v23;
	[tilespmem:v3+s14+$0x0] =	vst.idx.add.f32.msk $0xffff, v4;
	v3 =	vand.u32 $0xFFFF, v47  }
0x98: {  	v52 =	vld [tilespmem:s24+$0x10];
	v30 =	vshll.u32 v9, $0x10;
	v31 =	vadd.s32 $0x4E20, v17;
	v9 =	vand.u32 $0xFFFF0000, v9  }
0x99: {  	v34 =	vadd.s32 $0x7530, v17;
	v55 =	vadd.s32 $0x4E20, v13;
	v56 =	vadd.s32 $0x7530, v13;
	[tilespmem:v10+s14+$0x0] =	vst.idx.add.f32.msk $0xffff, v5  }
0x9a: {  	v7 =	vmul.f32 v7, v23;
	v15 =	vshrl.u32 v11, $0x10;
	v19 =	vand.u32 $0xFFFF, v11;
	v11 =	vld.idx.msk [tilespmem:v12+s3+$0x0], $0xffff  }
0x9b: {  	v8 =	vadd.s32 $0x2710, v13;
	v4 =	vadd.s32 $0x2710, v15;
	v51 =	vand.u32 $0x7, v15;
	v50 =	vld.idx.msk [tilespmem:v14+s3+$0x0], $0xffff  }
0x9c: {  	v4 =	vand.u32 $0x1FFF8, v4;
	v53 =	vadd.s32 $0x2710, v3;
	v27 =	vld.idx.msk [tilespmem:v3+s3+$0x0], $0xffff;
	v3 =	vadd.s32 $0x2710, v16  }
0x9d: {  	v29 =	vand.u32 $0x7, v16;
	v54 =	vor.u32 v51, v4;
	v4 =	vld [tilespmem:s24+$0xFFFFFFE0];
	v3 =	vand.u32 $0x1FFF8, v3  }
0x9e: {  	v5 =	vadd.s32 $0x2710, v17;
	v10 =	vand.u32 $0x7, v17;
	[tilespmem:v18+s14+$0x0] =	vst.idx.add.f32.msk $0xffff, v7;
	v32 =	vor.u32 v29, v3  }
0x9f: {  	v5 =	vand.u32 $0x1FFF8, v5;
	v12 =	vadd.s32 $0x2710, v12;
	v14 =	vld.idx.msk [tilespmem:v19+s3+$0x0], $0xffff;
	v33 =	vshll.u32 v11, $0x10  }
0xa0: {  	v49 =	vor.u32 v10, v5;
	v5 =	vld [tilespmem:s24+$0xFFFFFFF0];
	v11 =	vand.u32 $0xFFFF0000, v11;
	v33 =	vmul.f32 v33, v52  }
0xa1: {  	v8 =	vand.u32 $0x1FFF8, v8;
	v58 =	vadd.s32 $0x4E20, v15;
	v3 =	vld [tilespmem:s24+$0x0];
	v11 =	vmul.f32 v11, v52  }
0xa2: {  	v59 =	vadd.s32 $0x7530, v15;
	v8 =	vor.u32 v48, v8;
	v35 =	vshll.u32 v27, $0x10;
	[tilespmem:v16+s14+$0x0] =	vst.idx.add.f32.msk $0xffff, v33  }
0xa3: {  	v7 =	vshll.u32 v50, $0x10;
	v27 =	vand.u32 $0xFFFF0000, v27;
	v35 =	vmul.f32 v35, v4;
	[tilespmem:v32+s14+$0x0] =	vst.idx.add.f32.msk $0xffff, v11  }
0xa4: {  	v36 =	vshll.u32 v14, $0x10;
	v11 =	vand.u32 $0xFFFF0000, v14;
	v14 =	vmul.f32 v27, v4;
	v12 =	vld.idx.msk [tilespmem:v12+s3+$0x0], $0xffff  }
0xa5: {  	v18 =	vand.u32 $0xFFFF0000, v50;
	v57 =	vmul.f32 v7, v5;
	v7 =	vmul.f32 v30, v6;
	[tilespmem:v17+s14+$0x0] =	vst.idx.add.f32.msk $0xffff, v35  }
0xa6: {  	v6 =	vmul.f32 v9, v6;
	v17 =	vmul.f32 v18, v5;
	[tilespmem:v49+s14+$0x0] =	vst.idx.add.f32.msk $0xffff, v14;
	v14 =	vadd.s32 $0x4E20, v16  }
0xa7: {  	[tilespmem:v13+s14+$0x0] =	vst.idx.add.f32.msk $0xffff, v57;
	v18 =	vmul.f32 v36, v3;
	v13 =	vand.u32 $0x1FFF8, v14;
	v14 =	vadd.s32 $0x7530, v16  }
0xa8: {  	v11 =	vmul.f32 v11, v3;
	[tilespmem:v8+s14+$0x0] =	vst.idx.add.f32.msk $0xffff, v17;
	v8 =	vor.u32 v29, v13;
	v9 =	vand.u32 $0x1FFF8, v14  }
0xa9: {  	v60 =	vand.u32 $0x1FFF8, v58;
	v63 =	vand.u32 $0x1FFF8, v59;
	[tilespmem:v15+s14+$0x0] =	vst.idx.add.f32.msk $0xffff, v18;
	v17 =	vor.u32 v29, v9  }
0xaa: {  	v16 =	vand.u32 $0x1FFF8, v34;
	v13 =	vand.u32 $0x1FFF8, v31;
	[tilespmem:v54+s14+$0x0] =	vst.idx.add.f32.msk $0xffff, v11;
	v11 =	vshll.u32 v12, $0x10  }
0xab: {  	v15 =	vld.idx.msk [tilespmem:v53+s3+$0x0], $0xffff;
	v9 =	vand.u32 $0x1FFF8, v55;
	v61 =	vand.u32 $0xFFFF0000, v12;
	v62 =	vmul.f32 v11, v52  }
0xac: {  	v14 =	vor.u32 v10, v13;
	v12 =	vor.u32 v10, v16;
	v16 =	vld.idx.msk [tilespmem:v28+s3+$0x0], $0xffff;
	v22 =	vmul.f32 v61, v52  }
0xad: {  	v18 =	vand.u32 $0x1FFF8, v56;
	v13 =	vor.u32 v48, v9;
	v10 =	vor.u32 v51, v60;
	[tilespmem:v8+s14+$0x0] =	vst.idx.add.f32.msk $0xffff, v62  }
0xae: {  	s25 =	simm.s32 $0x4;
	s26 =	sadd.s32 $0x40, s31;
	v9 =	vor.u32 v51, v63;
	v11 =	vor.u32 v48, v18;
	v8 =	vadd.s32 $0x2710, v19;
	[tilespmem:v17+s14+$0x0] =	vst.idx.add.f32.msk $0xffff, v22  }
.LBB2_10:
0xaf: {  	v17 =	vld [tilespmem:s26+$0x10]  }
0xb0: {  	v18 =	vld [tilespmem:s26+$0xFFFFFFF0]  }
0xb1: {  	s25 =	sadd.s32 $0x4, s25;
	v20 =	vshll.u32 v15, $0x10;
	v15 =	vand.u32 $0xFFFF0000, v15;
	v19 =	vld [tilespmem:s26+$0x0]  }
0xb2: {  	p1 =	slt.u32 s25, $0x1F0;
	v20 =	vmul.f32 v20, v4;
	v22 =	vshll.u32 v16, $0x10;
	v16 =	vand.u32 $0xFFFF0000, v16;
	v21 =	vld [tilespmem:s26+$0xFFFFFFE0]  }
0xb3: {  	v4 =	vmul.f32 v15, v4;
	v15 =	vmul.f32 v22, v5;
	v22 =	vld.idx.msk [tilespmem:v8+s3+$0x0], $0xffff  }
0xb4: {  	v5 =	vmul.f32 v16, v5;
	v23 =	vand.u32 $0xFFFF, v17;
	[tilespmem:v14+s14+$0x0] =	vst.idx.add.f32.msk $0xffff, v20  }
0xb5: {  	v14 =	vshrl.u32 v18, $0x10;
	v8 =	vand.u32 $0xFFFF, v18;
	[tilespmem:v12+s14+$0x0] =	vst.idx.add.f32.msk $0xffff, v4  }
0xb6: {  	v4 =	vadd.s32 $0x2710, v14;
	v12 =	vshrl.u32 v19, $0x10;
	v16 =	vand.u32 $0xFFFF, v19;
	[tilespmem:v13+s14+$0x0] =	vst.idx.add.f32.msk $0xffff, v15  }
0xb7: {  	v13 =	vshrl.u32 v21, $0x10;
	v15 =	vand.u32 $0xFFFF, v21;
	v18 =	vadd.s32 $0x2710, v12;
	[tilespmem:v11+s14+$0x0] =	vst.idx.add.f32.msk $0xffff, v5  }
0xb8: {  	v4 =	vand.u32 $0x1FFF8, v4;
	v5 =	vadd.s32 $0x2710, v13;
	v11 =	vand.u32 $0x1FFF8, v18;
	[tilespmem:v1+s14+$0x0] =	vst.idx.add.f32.msk $0xffff, v7;
	v1 =	vmovc v10  }
0xb9: {  	v10 =	vand.u32 $0x7, v13;
	v18 =	vand.u32 $0x7, v14;
	v5 =	vand.u32 $0x1FFF8, v5;
	v7 =	vld.idx.msk [tilespmem:v23+s3+$0x0], $0xffff  }
0xba: {  	s24 =	sadd.s32 $0x40, s24;
	v24 =	vand.u32 $0x7, v12;
	v21 =	vor.u32 v18, v4;
	v19 =	vor.u32 v10, v5;
	v20 =	vld.idx.msk [tilespmem:v8+s3+$0x0], $0xffff  }
0xbb: {  	v17 =	vshrl.u32 v17, $0x10;
	v25 =	vadd.s32 $0x2710, v15;
	v11 =	vor.u32 v24, v11;
	v26 =	vld [tilespmem:s24+$0x10]  }
0xbc: {  	v27 =	vadd.s32 $0x2710, v8;
	v4 =	vadd.s32 $0x2710, v17;
	v8 =	vadd.s32 $0x2710, v16;
	v15 =	vld.idx.msk [tilespmem:v15+s3+$0x0], $0xffff  }
0xbd: {  	v28 =	vand.u32 $0x7, v17;
	v29 =	vshll.u32 v22, $0x10;
	v5 =	vand.u32 $0x1FFF8, v4;
	v16 =	vld.idx.msk [tilespmem:v16+s3+$0x0], $0xffff  }
0xbe: {  	v30 =	vadd.s32 $0x4E20, v13;
	v22 =	vand.u32 $0xFFFF0000, v22;
	v31 =	vor.u32 v28, v5;
	v4 =	vld [tilespmem:s24+$0xFFFFFFE0]  }
0xbf: {  	v32 =	vadd.s32 $0x7530, v13;
	v23 =	vadd.s32 $0x2710, v23;
	v33 =	vshll.u32 v7, $0x10;
	v5 =	vld [tilespmem:s24+$0xFFFFFFF0]  }
0xc0: {  	v7 =	vand.u32 $0xFFFF0000, v7;
	v34 =	vshll.u32 v20, $0x10;
	v35 =	vld [tilespmem:s24+$0x0];
	v33 =	vmul.f32 v33, v26  }
0xc1: {  	v36 =	vadd.s32 $0x4E20, v14;
	v20 =	vand.u32 $0xFFFF0000, v20;
	v7 =	vmul.f32 v7, v26;
	[tilespmem:v2+s14+$0x0] =	vst.idx.add.f32.msk $0xffff, v6;
	v2 =	vmovc v9  }
0xc2: {  	v6 =	vshll.u32 v15, $0x10;
	v9 =	vand.u32 $0xFFFF0000, v15;
	v15 =	vadd.s32 $0x7530, v14;
	[tilespmem:v17+s14+$0x0] =	vst.idx.add.f32.msk $0xffff, v33  }
0xc3: {  	v33 =	vshll.u32 v16, $0x10;
	v16 =	vand.u32 $0xFFFF0000, v16;
	v6 =	vmul.f32 v6, v4;
	[tilespmem:v31+s14+$0x0] =	vst.idx.add.f32.msk $0xffff, v7  }
0xc4: {  	v7 =	vmul.f32 v9, v4;
	v31 =	vadd.s32 $0x4E20, v12;
	v9 =	vmul.f32 v34, v5;
	v23 =	vld.idx.msk [tilespmem:v23+s3+$0x0], $0xffff  }
0xc5: {  	[tilespmem:v13+s14+$0x0] =	vst.idx.add.f32.msk $0xffff, v6;
	v13 =	vmul.f32 v20, v5;
	v20 =	vmul.f32 v33, v35;
	v33 =	vadd.s32 $0x7530, v12  }
0xc6: {  	v16 =	vmul.f32 v16, v35;
	v6 =	vadd.s32 $0x4E20, v17;
	[tilespmem:v19+s14+$0x0] =	vst.idx.add.f32.msk $0xffff, v7;
	v7 =	vmul.f32 v29, v3  }
0xc7: {  	[tilespmem:v14+s14+$0x0] =	vst.idx.add.f32.msk $0xffff, v9;
	v9 =	vand.u32 $0x1FFF8, v6;
	v14 =	vadd.s32 $0x7530, v17;
	v6 =	vmul.f32 v22, v3;
	v3 =	vmovc v35  }
0xc8: {  	v17 =	vand.u32 $0x1FFF8, v30;
	[tilespmem:v21+s14+$0x0] =	vst.idx.add.f32.msk $0xffff, v13;
	v9 =	vor.u32 v28, v9;
	v13 =	vand.u32 $0x1FFF8, v14  }
0xc9: {  	v19 =	vand.u32 $0x1FFF8, v32;
	v21 =	vand.u32 $0x1FFF8, v36;
	[tilespmem:v12+s14+$0x0] =	vst.idx.add.f32.msk $0xffff, v20;
	v20 =	vor.u32 v28, v13  }
.Ltmp3:
0xca: {  	v22 =	vand.u32 $0x1FFF8, v15;
	v28 =	vand.u32 $0x1FFF8, v31;
	[tilespmem:v11+s14+$0x0] =	vst.idx.add.f32.msk $0xffff, v16;
	v11 =	vshll.u32 v23, $0x10;
	(pc) =	sbr.rel @p1 .LBB2_10-.Ltmp3, $4  }
0xcb: {  	v13 =	vand.u32 $0xFFFF0000, v23;
	v15 =	vld.idx.msk [tilespmem:v25+s3+$0x0], $0xffff;
	v25 =	vand.u32 $0x1FFF8, v33;
	v23 =	vmul.f32 v11, v26  }
0xcc: {  	v14 =	vor.u32 v10, v17;
	v12 =	vor.u32 v10, v19;
	v17 =	vmul.f32 v13, v26;
	v16 =	vld.idx.msk [tilespmem:v27+s3+$0x0], $0xffff  }
0xcd: {  	v13 =	vor.u32 v18, v21;
	v11 =	vor.u32 v18, v22;
	[tilespmem:v9+s14+$0x0] =	vst.idx.add.f32.msk $0xffff, v23  }
0xce: {  	s26 =	sadd.s32 $0x40, s26;
	v10 =	vor.u32 v24, v28;
	v9 =	vor.u32 v24, v25;
	[tilespmem:v20+s14+$0x0] =	vst.idx.add.f32.msk $0xffff, v17  }
0xcf: {  	_ =	sdelay $0x3  }
0xd0: {  	v8 =	vld.idx.msk [tilespmem:v8+s3+$0x0], $0xffff  }
0xd1: {  	v17 =	vshll.u32 v15, $0x10  }
0xd2: {  	[tilespmem:v1+s14+$0x0] =	vst.idx.add.f32.msk $0xffff, v7;
	v58 =	vand.u32 $0xFFFF0000, v15;
	v17 =	vmul.f32 v17, v4  }
0xd3: {  	[tilespmem:v2+s14+$0x0] =	vst.idx.add.f32.msk $0xffff, v6;
	v18 =	vshll.u32 v16, $0x10;
	v59 =	vmul.f32 v58, v4  }
0xd4: {  	v60 =	vand.u32 $0xFFFF0000, v16;
	v61 =	vmul.f32 v18, v5;
	[tilespmem:v14+s14+$0x0] =	vst.idx.add.f32.msk $0xffff, v17  }
0xd5: {  	v62 =	vmul.f32 v60, v5;
	[tilespmem:v12+s14+$0x0] =	vst.idx.add.f32.msk $0xffff, v59;
	v63 =	vshll.u32 v8, $0x10  }
0xd6: {  	[tilespmem:v13+s14+$0x0] =	vst.idx.add.f32.msk $0xffff, v61;
	v1 =	vand.u32 $0xFFFF0000, v8;
	v4 =	vmul.f32 v63, v3  }
0xd7: {  	[tilespmem:v11+s14+$0x0] =	vst.idx.add.f32.msk $0xffff, v62;
	v1 =	vmul.f32 v1, v3  }
0xd8: {  	[tilespmem:v10+s14+$0x0] =	vst.idx.add.f32.msk $0xffff, v4  }
0xd9: {  	[tilespmem:v9+s14+$0x0] =	vst.idx.add.f32.msk $0xffff, v1  }
0xda: {  	p1 =	seq.s32 s23, $0x28  }
.Ltmp4:
0xdb: {  	_ = 	snop;
	(pc) =	sbr.rel @!p1 .LBB2_9-.Ltmp4, $2  }
0xdc: {  	_ =	sdelay $0x2  }
0xdd: {  	p0 =	por !p0, !p0  }
0xde: {  	s23 =	simm.s32 $0x0  }
0xdf: {  	[tilespmem:s19], [sflag:$0x1] =	stream.linear.gather [hbm4b:s4+s23], $0x1F40, $0x38;
	[tilespmem:$0x16760] =	vst v63  }
0xe0: {  	_ = 	snop  }
0xe1: {  	[tilespmem:s20], [sflag:$0x1] =	stream.linear.gather [hbm4b:s2+s23], $0x1F40, $0x38;
	[tilespmem:$0x16760] =	vst v63  }
0xe2: {  	s23 =	simm.s32 $0x0  }
0xe3: {  	v1 =	vld [tilespmem:s23+$0x9C70]  }
0xe4: {  	v2 =	vld [tilespmem:s23+$0xC380]  }
0xe5: {  	v3 =	vld [tilespmem:s23+$0x4E20]  }
0xe6: {  	v4 =	vld [tilespmem:s23+$0x7530]  }
0xe7: {  	v5 =	vld [tilespmem:s23+$0x9C40]  }
0xe8: {  	v6 =	vld [tilespmem:s23+$0xC350]  }
0xe9: {  	v7 =	vld [tilespmem:s23+$0x4E30]  }
0xea: {  	v8 =	vld [tilespmem:s23+$0x7540];
	v1 =	vadd.s32 $0x8000, v1;
	v2 =	vadd.s32 $0x8000, v2  }
0xeb: {  	v9 =	vld [tilespmem:s23+$0x9C50];
	v3 =	vadd.s32 $0x8000, v3;
	v1 =	vshrl.u32 v1, $0x10;
	v2 =	vand.u32 $0xFFFF0000, v2  }
0xec: {  	v11 =	vld [tilespmem:s23+$0xC360];
	v4 =	vadd.s32 $0x8000, v4;
	v3 =	vshrl.u32 v3, $0x10;
	v10 =	vor.u32 v1, v2  }
0xed: {  	v2 =	vand.u32 $0xFFFF0000, v4;
	v4 =	vadd.s32 $0x8000, v5;
	v5 =	vadd.s32 $0x8000, v6;
	v1 =	vld [tilespmem:s23+$0x4E40]  }
0xee: {  	v6 =	vor.u32 v3, v2;
	v3 =	vshrl.u32 v4, $0x10;
	v4 =	vand.u32 $0xFFFF0000, v5;
	v2 =	vld [tilespmem:s23+$0x7550]  }
0xef: {  	[tilespmem:s23+$0x2740] =	vst v10;
	v5 =	vadd.s32 $0x8000, v7;
	v7 =	vor.u32 v3, v4;
	v4 =	vadd.s32 $0x8000, v8;
	v3 =	vld [tilespmem:s23+$0x9C60]  }
0xf0: {  	v9 =	vadd.s32 $0x8000, v9;
	[tilespmem:s23+$0x0] =	vst v6;
	v5 =	vshrl.u32 v5, $0x10;
	v6 =	vand.u32 $0xFFFF0000, v4;
	v4 =	vld [tilespmem:s23+$0xC370]  }
0xf1: {  	s24 =	simm.s32 $0x0;
	s25 =	simm.s32 $0x100;
	v8 =	vadd.s32 $0x8000, v11;
	[tilespmem:s23+$0x2710] =	vst v7;
	v7 =	vshrl.u32 v9, $0x10;
	v6 =	vor.u32 v5, v6;
	v5 =	vld [tilespmem:s23+$0x4E50]  }
.LBB2_13:
0xf2: {  	s26 =	sshra.s32 s25, $0x2;
	[tilespmem:s23+$0x10] =	vst v6;
	v6 =	vand.u32 $0xFFFF0000, v8;
	v1 =	vadd.s32 $0x8000, v1;
	v8 =	vld [tilespmem:s23+$0x7560]  }
0xf3: {  	s24 =	sadd.s32 $0x4, s24;
	v9 =	vld [tilespmem:s26+$0x9C70];
	v6 =	vor.u32 v7, v6;
	v2 =	vadd.s32 $0x8000, v2;
	v1 =	vshrl.u32 v1, $0x10  }
0xf4: {  	p0 =	slt.u32 s24, $0x26C;
	v7 =	vld [tilespmem:s26+$0xC380];
	[tilespmem:s23+$0x2720] =	vst v6;
	v2 =	vand.u32 $0xFFFF0000, v2;
	v3 =	vadd.s32 $0x8000, v3  }
0xf5: {  	v6 =	vld [tilespmem:s26+$0x4E20];
	v1 =	vor.u32 v1, v2;
	v2 =	vadd.s32 $0x8000, v4;
	v3 =	vshrl.u32 v3, $0x10  }
0xf6: {  	v4 =	vld [tilespmem:s26+$0x7530];
	[tilespmem:s23+$0x20] =	vst v1;
	v1 =	vand.u32 $0xFFFF0000, v2;
	v2 =	vadd.s32 $0x8000, v5  }
0xf7: {  	v5 =	vld [tilespmem:s26+$0x9C40];
	v1 =	vor.u32 v3, v1;
	v3 =	vadd.s32 $0x8000, v8;
	v2 =	vshrl.u32 v2, $0x10  }
0xf8: {  	v8 =	vld [tilespmem:s26+$0xC350];
	[tilespmem:s23+$0x2730] =	vst v1;
	v1 =	vand.u32 $0xFFFF0000, v3  }
0xf9: {  	v9 =	vadd.s32 $0x8000, v9;
	v3 =	vld [tilespmem:s26+$0x4E30];
	v7 =	vadd.s32 $0x8000, v7;
	v1 =	vor.u32 v2, v1  }
0xfa: {  	v9 =	vshrl.u32 v9, $0x10;
	v2 =	vadd.s32 $0x8000, v6;
	v6 =	vld [tilespmem:s26+$0x7540];
	v7 =	vand.u32 $0xFFFF0000, v7;
	[tilespmem:s23+$0x30] =	vst v1;
	s23 =	smov.u32 s26  }
0xfb: {  	v1 =	vadd.s32 $0x8000, v4;
	v2 =	vshrl.u32 v2, $0x10;
	v4 =	vld [tilespmem:s23+$0x9C50];
	v7 =	vor.u32 v9, v7  }
0xfc: {  	v1 =	vand.u32 $0xFFFF0000, v1;
	v5 =	vadd.s32 $0x8000, v5;
	v9 =	vld [tilespmem:s23+$0xC360];
	[tilespmem:s23+$0x2740] =	vst v7  }
.Ltmp5:
0xfd: {  	v2 =	vor.u32 v2, v1;
	v7 =	vadd.s32 $0x8000, v8;
	v5 =	vshrl.u32 v5, $0x10;
	v1 =	vld [tilespmem:s23+$0x4E40];
	(pc) =	sbr.rel @p0 .LBB2_13-.Ltmp5, $4  }
0xfe: {  	[tilespmem:s23+$0x0] =	vst v2;
	v7 =	vand.u32 $0xFFFF0000, v7;
	v3 =	vadd.s32 $0x8000, v3;
	v2 =	vld [tilespmem:s23+$0x7550]  }
0xff: {  	v5 =	vor.u32 v5, v7;
	v6 =	vadd.s32 $0x8000, v6;
	v7 =	vshrl.u32 v3, $0x10;
	v3 =	vld [tilespmem:s23+$0x9C60]  }
0x100: {  	[tilespmem:s23+$0x2710] =	vst v5;
	v5 =	vand.u32 $0xFFFF0000, v6;
	v10 =	vadd.s32 $0x8000, v4;
	v4 =	vld [tilespmem:s23+$0xC370]  }
0x101: {  	s25 =	sadd.s32 $0x100, s25;
	v6 =	vor.u32 v7, v5;
	v8 =	vadd.s32 $0x8000, v9;
	v7 =	vshrl.u32 v10, $0x10;
	v5 =	vld [tilespmem:s23+$0x4E50]  }
0x102: {  	v9 =	vld [tilespmem:s23+$0x7560]  }
0x103: {  	v8 =	vand.u32 $0xFFFF0000, v8  }
0x104: {  	v1 =	vadd.s32 $0x8000, v1;
	v7 =	vor.u32 v7, v8;
	v2 =	vadd.s32 $0x8000, v2  }
0x105: {  	v1 =	vshrl.u32 v1, $0x10;
	v2 =	vand.u32 $0xFFFF0000, v2;
	v3 =	vadd.s32 $0x8000, v3  }
0x106: {  	[tilespmem:s23+$0x10] =	vst v6;
	v1 =	vor.u32 v1, v2;
	v2 =	vadd.s32 $0x8000, v4;
	v3 =	vshrl.u32 v3, $0x10  }
0x107: {  	[tilespmem:s23+$0x2720] =	vst v7;
	v2 =	vand.u32 $0xFFFF0000, v2;
	v61 =	vadd.s32 $0x8000, v5;
	v62 =	vadd.s32 $0x8000, v9  }
0x108: {  	[tilespmem:s23+$0x20] =	vst v1;
	v1 =	vor.u32 v3, v2;
	v2 =	vshrl.u32 v61, $0x10;
	v3 =	vand.u32 $0xFFFF0000, v62  }
0x109: {  	[tilespmem:s23+$0x2730] =	vst v1;
	v1 =	vor.u32 v2, v3  }
0x10a: {  	[tilespmem:s23+$0x30] =	vst v1  }
0x10b: {  	v1 =	vld [tilespmem:$0x7520]  }
0x10c: {  	v2 =	vld [tilespmem:$0x9C30]  }
0x10d: {  	v3 =	vld [tilespmem:$0xC340]  }
0x10e: {  	v63 =	vld [tilespmem:$0xEA50];
	_ =	sdelay $0x3  }
0x10f: {  	v1 =	vadd.s32 $0x8000, v1;
	v2 =	vadd.s32 $0x8000, v2;
	v3 =	vadd.s32 $0x8000, v3  }
0x110: {  	v4 =	vadd.s32 $0x8000, v63;
	v1 =	vshrl.u32 v1, $0x10;
	v2 =	vand.u32 $0xFFFF0000, v2  }
0x111: {  	v1 =	vor.u32 v1, v2;
	v2 =	vshrl.u32 v3, $0x10;
	v3 =	vand.u32 $0xFFFF0000, v4  }
0x112: {  	[tilespmem:$0x2700] =	vst v1;
	v1 =	vor.u32 v2, v3  }
0x113: {  	s23 =	simm.s32 $0x4E60;
	[tilespmem:$0x4E10] =	vst v1  }
0x114: {  	[tilespmem:s23+$0xFFFFFFC0] =	vst v0  }
0x115: {  	[tilespmem:s23+$0x30] =	vst v0  }
0x116: {  	[tilespmem:s23+$0x20] =	vst v0  }
0x117: {  	[tilespmem:s23+$0x10] =	vst v0  }
0x118: {  	[tilespmem:s23+$0x0] =	vst v0  }
0x119: {  	[tilespmem:s23+$0xFFFFFFF0] =	vst v0  }
0x11a: {  	s24 =	simm.s32 $0x0;
	[tilespmem:s23+$0xFFFFFFE0] =	vst v0  }
.LBB2_15:
0x11b: {  	s24 =	sadd.s32 $0x8, s24;
	[tilespmem:s23+$0xFFFFFFD0] =	vst v0;
	s23 =	sadd.s32 $0x80, s23  }
0x11c: {  	[tilespmem:s23+$0xFFFFFFC0] =	vst v0;
	p0 =	slt.u32 s24, $0x9B8  }
0x11d: {  	[tilespmem:s23+$0x30] =	vst v0  }
.Ltmp6:
0x11e: {  	[tilespmem:s23+$0x20] =	vst v0;
	(pc) =	sbr.rel @p0 .LBB2_15-.Ltmp6, $4  }
0x11f: {  	[tilespmem:s23+$0x10] =	vst v0  }
0x120: {  	[tilespmem:s23+$0x0] =	vst v0  }
0x121: {  	[tilespmem:s23+$0xFFFFFFF0] =	vst v0  }
0x122: {  	[tilespmem:s23+$0xFFFFFFE0] =	vst v0  }
0x123: {  	[tilespmem:s23+$0xFFFFFFD0] =	vst v0;
	s23 =	simm.s32 $0x0;
	s24 =	simm.s32 $0x0  }
.LBB2_17:
0x124: {  	p0 =	seq.s32 s24, $0xC0  }
.Ltmp7:
0x125: {  	_ = 	snop;
	(pc) =	sbr.rel @!p0 .LBB2_17-.Ltmp7, $3  }
0x126: {  	_ =	sdelay $0x1  }
0x127: {  	s25 =	sshra.s32 s24, $0x2  }
0x128: {  	s24 =	sadd.s32 $0x40, s24;
	[tilespmem:s25+$0xEA20] =	vst v0  }
0x129: {  	p0 =	por $0x0, $0x0  }
.LBB2_20:
0x12a: {  	s24 =	simm.s32 $0x1;
	_ =	swait.ge [sflag:s21], $0x1F40  }
0x12b: {  	s25 =	sand.u32 $0x1, s23;
	p1 =	seq.s32 s23, $0x27;
	s23 =	sadd.s32 $0x1, s23  }
0x12c: {  	s24 =	simm.s32 @!p0 $0x0;
	[sflag:s21] =	ssyncset.done $0x0;
	s28 =	smul.u32 @!p1 $0x3E8, s23  }
0x12d: {  	s25 =	sxor.u32 @!p1 $0x1, s25;
	s24 =	smul.u32 $0x7D00, s24;
	[sflag:s21] =	ssyncadd.s32 $0xFFFFE0C0  }
0x12e: {  	s26 =	smul.u32 @!p1 $0x1F40, s25;
	_ =	swait.ge [sflag:s21], $0x1F40  }
0x12f: {  	s30 =	simm.s32 @!p1 $0x0;
	s29 =	sadd.s32 @!p1 s4, s28;
	[sflag:s21] =	ssyncset.done $0x0  }
0x130: {  	s24 =	sshrl.u32 s24, $0x2;
	s25 =	sadd.s32 @!p1 $0xEA60, s26;
	[sflag:s21] =	ssyncadd.s32 $0xFFFFE0C0  }
0x131: {  	[tilespmem:s25], [sflag:$0x1] =	stream.linear.gather @!p1 [hbm4b:s29+s30], $0x1F40, $0x38;
	[tilespmem:$0x16760] =	vst v63  }
0x132: {  	s28 =	sadd.s32 @!p1 s2, s28;
	s26 =	sadd.s32 @!p1 $0x128E0, s26;
	s29 =	sadd.s32 $0xEA80, s24  }
0x133: {  	[tilespmem:s26], [sflag:$0x1] =	stream.linear.gather @!p1 [hbm4b:s28+s30], $0x1F40, $0x38;
	[tilespmem:$0x16760] =	vst v63  }
0x134: {  	v1 =	vld [tilespmem:s29+$0x10]  }
0x135: {  	v3 =	vld [tilespmem:s29+$0xFFFFFFE0];
	_ =	sdelay $0x2  }
0x136: {  	v2 =	vld [tilespmem:s29+$0xFFFFFFF0]  }
0x137: {  	v4 =	vld [tilespmem:s29+$0x0];
	v5 =	vand.u32 $0xFFFF, v1  }
0x138: {  	v8 =	vand.u32 $0xFFFF, v3;
	_ =	sdelay $0x1  }
0x139: {  	s24 =	sadd.s32 $0x12900, s24  }
0x13a: {  	v11 =	vld [tilespmem:s24+$0x10];
	v7 =	vand.u32 $0xFFFF, v2  }
0x13b: {  	v2 =	vshrl.u32 v2, $0x10;
	v9 =	vand.u32 $0xFFFF, v4;
	v4 =	vshrl.u32 v4, $0x10;
	v10 =	vld.idx.msk [tilespmem:v5+s3+$0x0], $0xffff  }
0x13c: {  	v3 =	vshrl.u32 v3, $0x10;
	v1 =	vshrl.u32 v1, $0x10;
	v6 =	vadd.s32 $0x2710, v2;
	v16 =	vld.idx.msk [tilespmem:v8+s3+$0x0], $0xffff  }
0x13d: {  	v19 =	vld [tilespmem:s24+$0xFFFFFFE0];
	v12 =	vadd.s32 $0x2710, v4;
	v13 =	vadd.s32 $0x2710, v3;
	v15 =	vadd.s32 $0x2710, v1  }
0x13e: {  	s31 =	sadd.s32 $0x40, s29;
	v23 =	vld [tilespmem:s24+$0xFFFFFFF0];
	v17 =	vand.u32 $0x7, v1;
	v18 =	vand.u32 $0x7, v3;
	v22 =	vand.u32 $0x7, v2  }
0x13f: {  	v47 =	vld [tilespmem:s31+$0xFFFFFFE0];
	v6 =	vand.u32 $0x1FFF8, v6;
	v15 =	vand.u32 $0x1FFF8, v15;
	v13 =	vand.u32 $0x1FFF8, v13  }
0x140: {  	v15 =	vor.u32 v17, v15;
	v24 =	vor.u32 v22, v6;
	v14 =	vld.idx.msk [tilespmem:v7+s3+$0x0], $0xffff;
	v21 =	vshll.u32 v10, $0x10  }
0x141: {  	v6 =	vld [tilespmem:s24+$0x0];
	v5 =	vadd.s32 $0x2710, v5;
	v26 =	vshll.u32 v16, $0x10;
	v21 =	vmul.f32 v21, v11  }
0x142: {  	v13 =	vor.u32 v18, v13;
	v20 =	vld.idx.msk [tilespmem:v9+s3+$0x0], $0xffff;
	v10 =	vand.u32 $0xFFFF0000, v10;
	v42 =	vmul.f32 v26, v19  }
0x143: {  	v25 =	vand.u32 $0x7, v4;
	v44 =	vadd.s32 $0x7530, v4;
	v10 =	vmul.f32 v10, v11;
	[tilespmem:v1+s14+$0x0] =	vst.idx.add.f32.msk $0xffff, v21  }
0x144: {  	v45 =	vadd.s32 $0x4E20, v1;
	v8 =	vadd.s32 $0x2710, v8;
	v16 =	vand.u32 $0xFFFF0000, v16;
	[tilespmem:v3+s14+$0x0] =	vst.idx.add.f32.msk $0xffff, v42  }
0x145: {  	v12 =	vand.u32 $0x1FFF8, v12;
	[tilespmem:v15+s14+$0x0] =	vst.idx.add.f32.msk $0xffff, v10;
	v10 =	vshll.u32 v14, $0x10;
	v15 =	vmul.f32 v16, v19  }
0x146: {  	v12 =	vor.u32 v25, v12;
	v7 =	vadd.s32 $0x2710, v7;
	v5 =	vld.idx.msk [tilespmem:v5+s3+$0x0], $0xffff;
	v10 =	vmul.f32 v10, v23  }
0x147: {  	v9 =	vadd.s32 $0x2710, v9;
	v43 =	vshll.u32 v20, $0x10;
	v14 =	vand.u32 $0xFFFF0000, v14;
	[tilespmem:v13+s14+$0x0] =	vst.idx.add.f32.msk $0xffff, v15  }
0x148: {  	v16 =	vadd.s32 $0x4E20, v3;
	v3 =	vadd.s32 $0x7530, v3;
	v14 =	vmul.f32 v14, v23;
	[tilespmem:v2+s14+$0x0] =	vst.idx.add.f32.msk $0xffff, v10  }
0x149: {  	v1 =	vadd.s32 $0x7530, v1;
	v3 =	vand.u32 $0x1FFF8, v3;
	v15 =	vmul.f32 v43, v6;
	v8 =	vld.idx.msk [tilespmem:v8+s3+$0x0], $0xffff  }
0x14a: {  	v1 =	vand.u32 $0x1FFF8, v1;
	v13 =	vand.u32 $0xFFFF0000, v20;
	v3 =	vor.u32 v18, v3;
	[tilespmem:v24+s14+$0x0] =	vst.idx.add.f32.msk $0xffff, v14  }
0x14b: {  	v10 =	vadd.s32 $0x4E20, v2;
	v2 =	vadd.s32 $0x7530, v2;
	v13 =	vmul.f32 v13, v6;
	[tilespmem:v4+s14+$0x0] =	vst.idx.add.f32.msk $0xffff, v15  }
0x14c: {  	v14 =	vadd.s32 $0x4E20, v4;
	v4 =	vand.u32 $0x1FFF8, v45;
	v15 =	vand.u32 $0x1FFF8, v16;
	v16 =	vld [tilespmem:s31+$0x10]  }
0x14d: {  	v10 =	vand.u32 $0x1FFF8, v10;
	[tilespmem:v12+s14+$0x0] =	vst.idx.add.f32.msk $0xffff, v13;
	v4 =	vor.u32 v17, v4;
	v12 =	vor.u32 v17, v1  }
0x14e: {  	v1 =	vand.u32 $0x1FFF8, v2;
	v2 =	vand.u32 $0x1FFF8, v14;
	v14 =	vand.u32 $0x1FFF8, v44;
	v17 =	vld [tilespmem:s31+$0xFFFFFFF0]  }
0x14f: {  	v7 =	vld.idx.msk [tilespmem:v7+s3+$0x0], $0xffff;
	v15 =	vor.u32 v18, v15;
	v10 =	vor.u32 v22, v10;
	v13 =	vshll.u32 v5, $0x10  }
0x150: {  	v5 =	vand.u32 $0xFFFF0000, v5;
	v18 =	vor.u32 v22, v1;
	v13 =	vmul.f32 v13, v11  }
0x151: {  	v1 =	vor.u32 v25, v2;
	v2 =	vor.u32 v25, v14;
	v9 =	vld.idx.msk [tilespmem:v9+s3+$0x0], $0xffff;
	v46 =	vshll.u32 v8, $0x10  }
0x152: {  	v5 =	vmul.f32 v5, v11;
	[tilespmem:v4+s14+$0x0] =	vst.idx.add.f32.msk $0xffff, v13;
	v4 =	vand.u32 $0xFFFF0000, v8;
	v8 =	vmul.f32 v46, v19  }
0x153: {  	v11 =	vld [tilespmem:s31+$0x0];
	v13 =	vshrl.u32 v17, $0x10;
	v14 =	vand.u32 $0xFFFF, v17;
	v17 =	vshrl.u32 v47, $0x10  }
0x154: {  	[tilespmem:v12+s14+$0x0] =	vst.idx.add.f32.msk $0xffff, v5;
	v5 =	vshll.u32 v7, $0x10;
	v12 =	vand.u32 $0xFFFF, v16;
	v4 =	vmul.f32 v4, v19  }
0x155: {  	v7 =	vand.u32 $0xFFFF0000, v7;
	v48 =	vand.u32 $0x7, v13;
	v16 =	vshrl.u32 v16, $0x10;
	[tilespmem:v15+s14+$0x0] =	vst.idx.add.f32.msk $0xffff, v8  }
0x156: {  	s24 =	sadd.s32 $0x40, s24;
	v28 =	vadd.s32 $0x2710, v14;
	v5 =	vmul.f32 v5, v23;
	[tilespmem:v3+s14+$0x0] =	vst.idx.add.f32.msk $0xffff, v4;
	v3 =	vand.u32 $0xFFFF, v47  }
0x157: {  	v52 =	vld [tilespmem:s24+$0x10];
	v30 =	vshll.u32 v9, $0x10;
	v31 =	vadd.s32 $0x4E20, v17;
	v9 =	vand.u32 $0xFFFF0000, v9  }
0x158: {  	v34 =	vadd.s32 $0x7530, v17;
	v55 =	vadd.s32 $0x4E20, v13;
	v56 =	vadd.s32 $0x7530, v13;
	[tilespmem:v10+s14+$0x0] =	vst.idx.add.f32.msk $0xffff, v5  }
0x159: {  	v7 =	vmul.f32 v7, v23;
	v15 =	vshrl.u32 v11, $0x10;
	v19 =	vand.u32 $0xFFFF, v11;
	v11 =	vld.idx.msk [tilespmem:v12+s3+$0x0], $0xffff  }
0x15a: {  	v8 =	vadd.s32 $0x2710, v13;
	v4 =	vadd.s32 $0x2710, v15;
	v51 =	vand.u32 $0x7, v15;
	v50 =	vld.idx.msk [tilespmem:v14+s3+$0x0], $0xffff  }
0x15b: {  	v4 =	vand.u32 $0x1FFF8, v4;
	v53 =	vadd.s32 $0x2710, v3;
	v27 =	vld.idx.msk [tilespmem:v3+s3+$0x0], $0xffff;
	v3 =	vadd.s32 $0x2710, v16  }
0x15c: {  	v29 =	vand.u32 $0x7, v16;
	v54 =	vor.u32 v51, v4;
	v4 =	vld [tilespmem:s24+$0xFFFFFFE0];
	v3 =	vand.u32 $0x1FFF8, v3  }
0x15d: {  	v5 =	vadd.s32 $0x2710, v17;
	v10 =	vand.u32 $0x7, v17;
	[tilespmem:v18+s14+$0x0] =	vst.idx.add.f32.msk $0xffff, v7;
	v32 =	vor.u32 v29, v3  }
0x15e: {  	v5 =	vand.u32 $0x1FFF8, v5;
	v12 =	vadd.s32 $0x2710, v12;
	v14 =	vld.idx.msk [tilespmem:v19+s3+$0x0], $0xffff;
	v33 =	vshll.u32 v11, $0x10  }
0x15f: {  	v49 =	vor.u32 v10, v5;
	v5 =	vld [tilespmem:s24+$0xFFFFFFF0];
	v11 =	vand.u32 $0xFFFF0000, v11;
	v33 =	vmul.f32 v33, v52  }
0x160: {  	v8 =	vand.u32 $0x1FFF8, v8;
	v58 =	vadd.s32 $0x4E20, v15;
	v3 =	vld [tilespmem:s24+$0x0];
	v11 =	vmul.f32 v11, v52  }
0x161: {  	v59 =	vadd.s32 $0x7530, v15;
	v8 =	vor.u32 v48, v8;
	v35 =	vshll.u32 v27, $0x10;
	[tilespmem:v16+s14+$0x0] =	vst.idx.add.f32.msk $0xffff, v33  }
0x162: {  	v7 =	vshll.u32 v50, $0x10;
	v27 =	vand.u32 $0xFFFF0000, v27;
	v35 =	vmul.f32 v35, v4;
	[tilespmem:v32+s14+$0x0] =	vst.idx.add.f32.msk $0xffff, v11  }
0x163: {  	v36 =	vshll.u32 v14, $0x10;
	v11 =	vand.u32 $0xFFFF0000, v14;
	v14 =	vmul.f32 v27, v4;
	v12 =	vld.idx.msk [tilespmem:v12+s3+$0x0], $0xffff  }
0x164: {  	v18 =	vand.u32 $0xFFFF0000, v50;
	v57 =	vmul.f32 v7, v5;
	v7 =	vmul.f32 v30, v6;
	[tilespmem:v17+s14+$0x0] =	vst.idx.add.f32.msk $0xffff, v35  }
0x165: {  	v6 =	vmul.f32 v9, v6;
	v17 =	vmul.f32 v18, v5;
	[tilespmem:v49+s14+$0x0] =	vst.idx.add.f32.msk $0xffff, v14;
	v14 =	vadd.s32 $0x4E20, v16  }
0x166: {  	[tilespmem:v13+s14+$0x0] =	vst.idx.add.f32.msk $0xffff, v57;
	v18 =	vmul.f32 v36, v3;
	v13 =	vand.u32 $0x1FFF8, v14;
	v14 =	vadd.s32 $0x7530, v16  }
0x167: {  	v11 =	vmul.f32 v11, v3;
	[tilespmem:v8+s14+$0x0] =	vst.idx.add.f32.msk $0xffff, v17;
	v8 =	vor.u32 v29, v13;
	v9 =	vand.u32 $0x1FFF8, v14  }
0x168: {  	v60 =	vand.u32 $0x1FFF8, v58;
	v63 =	vand.u32 $0x1FFF8, v59;
	[tilespmem:v15+s14+$0x0] =	vst.idx.add.f32.msk $0xffff, v18;
	v17 =	vor.u32 v29, v9  }
0x169: {  	v16 =	vand.u32 $0x1FFF8, v34;
	v13 =	vand.u32 $0x1FFF8, v31;
	[tilespmem:v54+s14+$0x0] =	vst.idx.add.f32.msk $0xffff, v11;
	v11 =	vshll.u32 v12, $0x10  }
0x16a: {  	v15 =	vld.idx.msk [tilespmem:v53+s3+$0x0], $0xffff;
	v9 =	vand.u32 $0x1FFF8, v55;
	v61 =	vand.u32 $0xFFFF0000, v12;
	v62 =	vmul.f32 v11, v52  }
0x16b: {  	v14 =	vor.u32 v10, v13;
	v12 =	vor.u32 v10, v16;
	v16 =	vld.idx.msk [tilespmem:v28+s3+$0x0], $0xffff;
	v22 =	vmul.f32 v61, v52  }
0x16c: {  	v18 =	vand.u32 $0x1FFF8, v56;
	v13 =	vor.u32 v48, v9;
	v10 =	vor.u32 v51, v60;
	[tilespmem:v8+s14+$0x0] =	vst.idx.add.f32.msk $0xffff, v62  }
0x16d: {  	s25 =	simm.s32 $0x4;
	s26 =	sadd.s32 $0x40, s31;
	v9 =	vor.u32 v51, v63;
	v11 =	vor.u32 v48, v18;
	v8 =	vadd.s32 $0x2710, v19;
	[tilespmem:v17+s14+$0x0] =	vst.idx.add.f32.msk $0xffff, v22  }
.LBB2_21:
0x16e: {  	v17 =	vld [tilespmem:s26+$0x10]  }
0x16f: {  	v18 =	vld [tilespmem:s26+$0xFFFFFFF0]  }
0x170: {  	s25 =	sadd.s32 $0x4, s25;
	v20 =	vshll.u32 v15, $0x10;
	v15 =	vand.u32 $0xFFFF0000, v15;
	v19 =	vld [tilespmem:s26+$0x0]  }
0x171: {  	p1 =	slt.u32 s25, $0x1F0;
	v20 =	vmul.f32 v20, v4;
	v22 =	vshll.u32 v16, $0x10;
	v16 =	vand.u32 $0xFFFF0000, v16;
	v21 =	vld [tilespmem:s26+$0xFFFFFFE0]  }
0x172: {  	v4 =	vmul.f32 v15, v4;
	v15 =	vmul.f32 v22, v5;
	v22 =	vld.idx.msk [tilespmem:v8+s3+$0x0], $0xffff  }
0x173: {  	v5 =	vmul.f32 v16, v5;
	v23 =	vand.u32 $0xFFFF, v17;
	[tilespmem:v14+s14+$0x0] =	vst.idx.add.f32.msk $0xffff, v20  }
0x174: {  	v14 =	vshrl.u32 v18, $0x10;
	v8 =	vand.u32 $0xFFFF, v18;
	[tilespmem:v12+s14+$0x0] =	vst.idx.add.f32.msk $0xffff, v4  }
0x175: {  	v4 =	vadd.s32 $0x2710, v14;
	v12 =	vshrl.u32 v19, $0x10;
	v16 =	vand.u32 $0xFFFF, v19;
	[tilespmem:v13+s14+$0x0] =	vst.idx.add.f32.msk $0xffff, v15  }
0x176: {  	v13 =	vshrl.u32 v21, $0x10;
	v15 =	vand.u32 $0xFFFF, v21;
	v18 =	vadd.s32 $0x2710, v12;
	[tilespmem:v11+s14+$0x0] =	vst.idx.add.f32.msk $0xffff, v5  }
0x177: {  	v4 =	vand.u32 $0x1FFF8, v4;
	v5 =	vadd.s32 $0x2710, v13;
	v11 =	vand.u32 $0x1FFF8, v18;
	[tilespmem:v1+s14+$0x0] =	vst.idx.add.f32.msk $0xffff, v7;
	v1 =	vmovc v10  }
0x178: {  	v10 =	vand.u32 $0x7, v13;
	v18 =	vand.u32 $0x7, v14;
	v5 =	vand.u32 $0x1FFF8, v5;
	v7 =	vld.idx.msk [tilespmem:v23+s3+$0x0], $0xffff  }
0x179: {  	s24 =	sadd.s32 $0x40, s24;
	v24 =	vand.u32 $0x7, v12;
	v21 =	vor.u32 v18, v4;
	v19 =	vor.u32 v10, v5;
	v20 =	vld.idx.msk [tilespmem:v8+s3+$0x0], $0xffff  }
0x17a: {  	v17 =	vshrl.u32 v17, $0x10;
	v25 =	vadd.s32 $0x2710, v15;
	v11 =	vor.u32 v24, v11;
	v26 =	vld [tilespmem:s24+$0x10]  }
0x17b: {  	v27 =	vadd.s32 $0x2710, v8;
	v4 =	vadd.s32 $0x2710, v17;
	v8 =	vadd.s32 $0x2710, v16;
	v15 =	vld.idx.msk [tilespmem:v15+s3+$0x0], $0xffff  }
0x17c: {  	v28 =	vand.u32 $0x7, v17;
	v29 =	vshll.u32 v22, $0x10;
	v5 =	vand.u32 $0x1FFF8, v4;
	v16 =	vld.idx.msk [tilespmem:v16+s3+$0x0], $0xffff  }
0x17d: {  	v30 =	vadd.s32 $0x4E20, v13;
	v22 =	vand.u32 $0xFFFF0000, v22;
	v31 =	vor.u32 v28, v5;
	v4 =	vld [tilespmem:s24+$0xFFFFFFE0]  }
0x17e: {  	v32 =	vadd.s32 $0x7530, v13;
	v23 =	vadd.s32 $0x2710, v23;
	v33 =	vshll.u32 v7, $0x10;
	v5 =	vld [tilespmem:s24+$0xFFFFFFF0]  }
0x17f: {  	v7 =	vand.u32 $0xFFFF0000, v7;
	v34 =	vshll.u32 v20, $0x10;
	v35 =	vld [tilespmem:s24+$0x0];
	v33 =	vmul.f32 v33, v26  }
0x180: {  	v36 =	vadd.s32 $0x4E20, v14;
	v20 =	vand.u32 $0xFFFF0000, v20;
	v7 =	vmul.f32 v7, v26;
	[tilespmem:v2+s14+$0x0] =	vst.idx.add.f32.msk $0xffff, v6;
	v2 =	vmovc v9  }
0x181: {  	v6 =	vshll.u32 v15, $0x10;
	v9 =	vand.u32 $0xFFFF0000, v15;
	v15 =	vadd.s32 $0x7530, v14;
	[tilespmem:v17+s14+$0x0] =	vst.idx.add.f32.msk $0xffff, v33  }
0x182: {  	v33 =	vshll.u32 v16, $0x10;
	v16 =	vand.u32 $0xFFFF0000, v16;
	v6 =	vmul.f32 v6, v4;
	[tilespmem:v31+s14+$0x0] =	vst.idx.add.f32.msk $0xffff, v7  }
0x183: {  	v7 =	vmul.f32 v9, v4;
	v31 =	vadd.s32 $0x4E20, v12;
	v9 =	vmul.f32 v34, v5;
	v23 =	vld.idx.msk [tilespmem:v23+s3+$0x0], $0xffff  }
0x184: {  	[tilespmem:v13+s14+$0x0] =	vst.idx.add.f32.msk $0xffff, v6;
	v13 =	vmul.f32 v20, v5;
	v20 =	vmul.f32 v33, v35;
	v33 =	vadd.s32 $0x7530, v12  }
0x185: {  	v16 =	vmul.f32 v16, v35;
	v6 =	vadd.s32 $0x4E20, v17;
	[tilespmem:v19+s14+$0x0] =	vst.idx.add.f32.msk $0xffff, v7;
	v7 =	vmul.f32 v29, v3  }
0x186: {  	[tilespmem:v14+s14+$0x0] =	vst.idx.add.f32.msk $0xffff, v9;
	v9 =	vand.u32 $0x1FFF8, v6;
	v14 =	vadd.s32 $0x7530, v17;
	v6 =	vmul.f32 v22, v3;
	v3 =	vmovc v35  }
0x187: {  	v17 =	vand.u32 $0x1FFF8, v30;
	[tilespmem:v21+s14+$0x0] =	vst.idx.add.f32.msk $0xffff, v13;
	v9 =	vor.u32 v28, v9;
	v13 =	vand.u32 $0x1FFF8, v14  }
0x188: {  	v19 =	vand.u32 $0x1FFF8, v32;
	v21 =	vand.u32 $0x1FFF8, v36;
	[tilespmem:v12+s14+$0x0] =	vst.idx.add.f32.msk $0xffff, v20;
	v20 =	vor.u32 v28, v13  }
.Ltmp8:
0x189: {  	v22 =	vand.u32 $0x1FFF8, v15;
	v28 =	vand.u32 $0x1FFF8, v31;
	[tilespmem:v11+s14+$0x0] =	vst.idx.add.f32.msk $0xffff, v16;
	v11 =	vshll.u32 v23, $0x10;
	(pc) =	sbr.rel @p1 .LBB2_21-.Ltmp8, $4  }
0x18a: {  	v13 =	vand.u32 $0xFFFF0000, v23;
	v15 =	vld.idx.msk [tilespmem:v25+s3+$0x0], $0xffff;
	v25 =	vand.u32 $0x1FFF8, v33;
	v23 =	vmul.f32 v11, v26  }
0x18b: {  	v14 =	vor.u32 v10, v17;
	v12 =	vor.u32 v10, v19;
	v17 =	vmul.f32 v13, v26;
	v16 =	vld.idx.msk [tilespmem:v27+s3+$0x0], $0xffff  }
0x18c: {  	v13 =	vor.u32 v18, v21;
	v11 =	vor.u32 v18, v22;
	[tilespmem:v9+s14+$0x0] =	vst.idx.add.f32.msk $0xffff, v23  }
0x18d: {  	s26 =	sadd.s32 $0x40, s26;
	v10 =	vor.u32 v24, v28;
	v9 =	vor.u32 v24, v25;
	[tilespmem:v20+s14+$0x0] =	vst.idx.add.f32.msk $0xffff, v17  }
0x18e: {  	_ =	sdelay $0x3  }
0x18f: {  	v8 =	vld.idx.msk [tilespmem:v8+s3+$0x0], $0xffff  }
0x190: {  	v17 =	vshll.u32 v15, $0x10  }
0x191: {  	[tilespmem:v1+s14+$0x0] =	vst.idx.add.f32.msk $0xffff, v7;
	v58 =	vand.u32 $0xFFFF0000, v15;
	v17 =	vmul.f32 v17, v4  }
0x192: {  	[tilespmem:v2+s14+$0x0] =	vst.idx.add.f32.msk $0xffff, v6;
	v18 =	vshll.u32 v16, $0x10;
	v59 =	vmul.f32 v58, v4  }
0x193: {  	v60 =	vand.u32 $0xFFFF0000, v16;
	v61 =	vmul.f32 v18, v5;
	[tilespmem:v14+s14+$0x0] =	vst.idx.add.f32.msk $0xffff, v17  }
0x194: {  	v62 =	vmul.f32 v60, v5;
	[tilespmem:v12+s14+$0x0] =	vst.idx.add.f32.msk $0xffff, v59;
	v63 =	vshll.u32 v8, $0x10  }
0x195: {  	[tilespmem:v13+s14+$0x0] =	vst.idx.add.f32.msk $0xffff, v61;
	v1 =	vand.u32 $0xFFFF0000, v8;
	v4 =	vmul.f32 v63, v3  }
0x196: {  	[tilespmem:v11+s14+$0x0] =	vst.idx.add.f32.msk $0xffff, v62;
	v1 =	vmul.f32 v1, v3  }
0x197: {  	[tilespmem:v10+s14+$0x0] =	vst.idx.add.f32.msk $0xffff, v4  }
0x198: {  	[tilespmem:v9+s14+$0x0] =	vst.idx.add.f32.msk $0xffff, v1  }
0x199: {  	p1 =	seq.s32 s23, $0x28  }
.Ltmp9:
0x19a: {  	_ = 	snop;
	(pc) =	sbr.rel @!p1 .LBB2_20-.Ltmp9, $2  }
0x19b: {  	_ =	sdelay $0x2  }
0x19c: {  	p0 =	por !p0, !p0  }
0x19d: {  	s23 =	simm.s32 $0x0  }
0x19e: {  	[tilespmem:s19], [sflag:$0x1] =	stream.linear.gather [hbm4b:s4+s23], $0x1F40, $0x38;
	[tilespmem:$0x16760] =	vst v63  }
0x19f: {  	_ = 	snop  }
0x1a0: {  	[tilespmem:s20], [sflag:$0x1] =	stream.linear.gather [hbm4b:s2+s23], $0x1F40, $0x38;
	[tilespmem:$0x16760] =	vst v63  }
0x1a1: {  	s23 =	simm.s32 $0x0  }
0x1a2: {  	v1 =	vld [tilespmem:s23+$0x9C70]  }
0x1a3: {  	v2 =	vld [tilespmem:s23+$0xC380]  }
0x1a4: {  	v3 =	vld [tilespmem:s23+$0x4E20]  }
0x1a5: {  	v4 =	vld [tilespmem:s23+$0x7530]  }
0x1a6: {  	v5 =	vld [tilespmem:s23+$0x9C40]  }
0x1a7: {  	v6 =	vld [tilespmem:s23+$0xC350]  }
0x1a8: {  	v7 =	vld [tilespmem:s23+$0x4E30]  }
0x1a9: {  	v8 =	vld [tilespmem:s23+$0x7540];
	v1 =	vadd.s32 $0x8000, v1;
	v2 =	vadd.s32 $0x8000, v2  }
0x1aa: {  	v9 =	vld [tilespmem:s23+$0x9C50];
	v3 =	vadd.s32 $0x8000, v3;
	v1 =	vshrl.u32 v1, $0x10;
	v2 =	vand.u32 $0xFFFF0000, v2  }
0x1ab: {  	v11 =	vld [tilespmem:s23+$0xC360];
	v4 =	vadd.s32 $0x8000, v4;
	v3 =	vshrl.u32 v3, $0x10;
	v10 =	vor.u32 v1, v2  }
0x1ac: {  	v2 =	vand.u32 $0xFFFF0000, v4;
	v4 =	vadd.s32 $0x8000, v5;
	v5 =	vadd.s32 $0x8000, v6;
	v1 =	vld [tilespmem:s23+$0x4E40]  }
0x1ad: {  	v6 =	vor.u32 v3, v2;
	v3 =	vshrl.u32 v4, $0x10;
	v4 =	vand.u32 $0xFFFF0000, v5;
	v2 =	vld [tilespmem:s23+$0x7550]  }
0x1ae: {  	[tilespmem:s23+$0x2740] =	vst v10;
	v5 =	vadd.s32 $0x8000, v7;
	v7 =	vor.u32 v3, v4;
	v4 =	vadd.s32 $0x8000, v8;
	v3 =	vld [tilespmem:s23+$0x9C60]  }
0x1af: {  	v9 =	vadd.s32 $0x8000, v9;
	[tilespmem:s23+$0x0] =	vst v6;
	v5 =	vshrl.u32 v5, $0x10;
	v6 =	vand.u32 $0xFFFF0000, v4;
	v4 =	vld [tilespmem:s23+$0xC370]  }
0x1b0: {  	s24 =	simm.s32 $0x0;
	s25 =	simm.s32 $0x100;
	v8 =	vadd.s32 $0x8000, v11;
	[tilespmem:s23+$0x2710] =	vst v7;
	v7 =	vshrl.u32 v9, $0x10;
	v6 =	vor.u32 v5, v6;
	v5 =	vld [tilespmem:s23+$0x4E50]  }
.LBB2_24:
0x1b1: {  	s26 =	sshra.s32 s25, $0x2;
	[tilespmem:s23+$0x10] =	vst v6;
	v6 =	vand.u32 $0xFFFF0000, v8;
	v1 =	vadd.s32 $0x8000, v1;
	v8 =	vld [tilespmem:s23+$0x7560]  }
0x1b2: {  	s24 =	sadd.s32 $0x4, s24;
	v9 =	vld [tilespmem:s26+$0x9C70];
	v6 =	vor.u32 v7, v6;
	v2 =	vadd.s32 $0x8000, v2;
	v1 =	vshrl.u32 v1, $0x10  }
0x1b3: {  	p0 =	slt.u32 s24, $0x26C;
	v7 =	vld [tilespmem:s26+$0xC380];
	[tilespmem:s23+$0x2720] =	vst v6;
	v2 =	vand.u32 $0xFFFF0000, v2;
	v3 =	vadd.s32 $0x8000, v3  }
0x1b4: {  	v6 =	vld [tilespmem:s26+$0x4E20];
	v1 =	vor.u32 v1, v2;
	v2 =	vadd.s32 $0x8000, v4;
	v3 =	vshrl.u32 v3, $0x10  }
0x1b5: {  	v4 =	vld [tilespmem:s26+$0x7530];
	[tilespmem:s23+$0x20] =	vst v1;
	v1 =	vand.u32 $0xFFFF0000, v2;
	v2 =	vadd.s32 $0x8000, v5  }
0x1b6: {  	v5 =	vld [tilespmem:s26+$0x9C40];
	v1 =	vor.u32 v3, v1;
	v3 =	vadd.s32 $0x8000, v8;
	v2 =	vshrl.u32 v2, $0x10  }
0x1b7: {  	v8 =	vld [tilespmem:s26+$0xC350];
	[tilespmem:s23+$0x2730] =	vst v1;
	v1 =	vand.u32 $0xFFFF0000, v3  }
0x1b8: {  	v9 =	vadd.s32 $0x8000, v9;
	v3 =	vld [tilespmem:s26+$0x4E30];
	v7 =	vadd.s32 $0x8000, v7;
	v1 =	vor.u32 v2, v1  }
0x1b9: {  	v9 =	vshrl.u32 v9, $0x10;
	v2 =	vadd.s32 $0x8000, v6;
	v6 =	vld [tilespmem:s26+$0x7540];
	v7 =	vand.u32 $0xFFFF0000, v7;
	[tilespmem:s23+$0x30] =	vst v1;
	s23 =	smov.u32 s26  }
0x1ba: {  	v1 =	vadd.s32 $0x8000, v4;
	v2 =	vshrl.u32 v2, $0x10;
	v4 =	vld [tilespmem:s23+$0x9C50];
	v7 =	vor.u32 v9, v7  }
0x1bb: {  	v1 =	vand.u32 $0xFFFF0000, v1;
	v5 =	vadd.s32 $0x8000, v5;
	v9 =	vld [tilespmem:s23+$0xC360];
	[tilespmem:s23+$0x2740] =	vst v7  }
.Ltmp10:
0x1bc: {  	v2 =	vor.u32 v2, v1;
	v7 =	vadd.s32 $0x8000, v8;
	v5 =	vshrl.u32 v5, $0x10;
	v1 =	vld [tilespmem:s23+$0x4E40];
	(pc) =	sbr.rel @p0 .LBB2_24-.Ltmp10, $4  }
0x1bd: {  	[tilespmem:s23+$0x0] =	vst v2;
	v7 =	vand.u32 $0xFFFF0000, v7;
	v3 =	vadd.s32 $0x8000, v3;
	v2 =	vld [tilespmem:s23+$0x7550]  }
0x1be: {  	v5 =	vor.u32 v5, v7;
	v6 =	vadd.s32 $0x8000, v6;
	v7 =	vshrl.u32 v3, $0x10;
	v3 =	vld [tilespmem:s23+$0x9C60]  }
0x1bf: {  	[tilespmem:s23+$0x2710] =	vst v5;
	v5 =	vand.u32 $0xFFFF0000, v6;
	v10 =	vadd.s32 $0x8000, v4;
	v4 =	vld [tilespmem:s23+$0xC370]  }
0x1c0: {  	s25 =	sadd.s32 $0x100, s25;
	v6 =	vor.u32 v7, v5;
	v8 =	vadd.s32 $0x8000, v9;
	v7 =	vshrl.u32 v10, $0x10;
	v5 =	vld [tilespmem:s23+$0x4E50]  }
0x1c1: {  	v9 =	vld [tilespmem:s23+$0x7560]  }
0x1c2: {  	v8 =	vand.u32 $0xFFFF0000, v8  }
0x1c3: {  	v1 =	vadd.s32 $0x8000, v1;
	v7 =	vor.u32 v7, v8;
	v2 =	vadd.s32 $0x8000, v2  }
0x1c4: {  	v1 =	vshrl.u32 v1, $0x10;
	v2 =	vand.u32 $0xFFFF0000, v2;
	v3 =	vadd.s32 $0x8000, v3  }
0x1c5: {  	[tilespmem:s23+$0x10] =	vst v6;
	v1 =	vor.u32 v1, v2;
	v2 =	vadd.s32 $0x8000, v4;
	v3 =	vshrl.u32 v3, $0x10  }
0x1c6: {  	[tilespmem:s23+$0x2720] =	vst v7;
	v2 =	vand.u32 $0xFFFF0000, v2;
	v61 =	vadd.s32 $0x8000, v5;
	v62 =	vadd.s32 $0x8000, v9  }
0x1c7: {  	[tilespmem:s23+$0x20] =	vst v1;
	v1 =	vor.u32 v3, v2;
	v2 =	vshrl.u32 v61, $0x10;
	v3 =	vand.u32 $0xFFFF0000, v62  }
0x1c8: {  	[tilespmem:s23+$0x2730] =	vst v1;
	v1 =	vor.u32 v2, v3  }
0x1c9: {  	[tilespmem:s23+$0x30] =	vst v1  }
0x1ca: {  	v1 =	vld [tilespmem:$0x7520]  }
0x1cb: {  	v2 =	vld [tilespmem:$0x9C30]  }
0x1cc: {  	v3 =	vld [tilespmem:$0xC340]  }
0x1cd: {  	v63 =	vld [tilespmem:$0xEA50];
	_ =	sdelay $0x3  }
0x1ce: {  	v1 =	vadd.s32 $0x8000, v1;
	v2 =	vadd.s32 $0x8000, v2;
	v3 =	vadd.s32 $0x8000, v3  }
0x1cf: {  	v4 =	vadd.s32 $0x8000, v63;
	v1 =	vshrl.u32 v1, $0x10;
	v2 =	vand.u32 $0xFFFF0000, v2  }
0x1d0: {  	v1 =	vor.u32 v1, v2;
	v2 =	vshrl.u32 v3, $0x10;
	v3 =	vand.u32 $0xFFFF0000, v4  }
0x1d1: {  	[tilespmem:$0x2700] =	vst v1;
	v1 =	vor.u32 v2, v3  }
0x1d2: {  	s23 =	simm.s32 $0x4E60;
	[tilespmem:$0x4E10] =	vst v1  }
0x1d3: {  	[tilespmem:s23+$0xFFFFFFC0] =	vst v0  }
0x1d4: {  	[tilespmem:s23+$0x30] =	vst v0  }
0x1d5: {  	[tilespmem:s23+$0x20] =	vst v0  }
0x1d6: {  	[tilespmem:s23+$0x10] =	vst v0  }
0x1d7: {  	[tilespmem:s23+$0x0] =	vst v0  }
0x1d8: {  	[tilespmem:s23+$0xFFFFFFF0] =	vst v0  }
0x1d9: {  	s24 =	simm.s32 $0x0;
	[tilespmem:s23+$0xFFFFFFE0] =	vst v0  }
.LBB2_26:
0x1da: {  	s24 =	sadd.s32 $0x8, s24;
	[tilespmem:s23+$0xFFFFFFD0] =	vst v0;
	s23 =	sadd.s32 $0x80, s23  }
0x1db: {  	[tilespmem:s23+$0xFFFFFFC0] =	vst v0;
	p0 =	slt.u32 s24, $0x9B8  }
0x1dc: {  	[tilespmem:s23+$0x30] =	vst v0  }
.Ltmp11:
0x1dd: {  	[tilespmem:s23+$0x20] =	vst v0;
	(pc) =	sbr.rel @p0 .LBB2_26-.Ltmp11, $4  }
0x1de: {  	[tilespmem:s23+$0x10] =	vst v0  }
0x1df: {  	[tilespmem:s23+$0x0] =	vst v0  }
0x1e0: {  	[tilespmem:s23+$0xFFFFFFF0] =	vst v0  }
0x1e1: {  	[tilespmem:s23+$0xFFFFFFE0] =	vst v0  }
0x1e2: {  	[tilespmem:s23+$0xFFFFFFD0] =	vst v0;
	s23 =	simm.s32 $0x0;
	s24 =	simm.s32 $0x0  }
.LBB2_28:
0x1e3: {  	p0 =	seq.s32 s24, $0xC0  }
.Ltmp12:
0x1e4: {  	_ = 	snop;
	(pc) =	sbr.rel @!p0 .LBB2_28-.Ltmp12, $3  }
0x1e5: {  	_ =	sdelay $0x1  }
0x1e6: {  	s25 =	sshra.s32 s24, $0x2  }
0x1e7: {  	s24 =	sadd.s32 $0x40, s24;
	[tilespmem:s25+$0xEA20] =	vst v0  }
0x1e8: {  	p0 =	por $0x0, $0x0  }
.LBB2_31:
0x1e9: {  	s24 =	simm.s32 $0x1;
	_ =	swait.ge [sflag:s21], $0x1F40  }
0x1ea: {  	s25 =	sand.u32 $0x1, s23;
	p1 =	seq.s32 s23, $0x27;
	s23 =	sadd.s32 $0x1, s23  }
0x1eb: {  	s24 =	simm.s32 @!p0 $0x0;
	[sflag:s21] =	ssyncset.done $0x0;
	s28 =	smul.u32 @!p1 $0x3E8, s23  }
0x1ec: {  	s25 =	sxor.u32 @!p1 $0x1, s25;
	s24 =	smul.u32 $0x7D00, s24;
	[sflag:s21] =	ssyncadd.s32 $0xFFFFE0C0  }
0x1ed: {  	s26 =	smul.u32 @!p1 $0x1F40, s25;
	_ =	swait.ge [sflag:s21], $0x1F40  }
0x1ee: {  	s30 =	simm.s32 @!p1 $0x0;
	s29 =	sadd.s32 @!p1 s4, s28;
	[sflag:s21] =	ssyncset.done $0x0  }
0x1ef: {  	s24 =	sshrl.u32 s24, $0x2;
	s25 =	sadd.s32 @!p1 $0xEA60, s26;
	[sflag:s21] =	ssyncadd.s32 $0xFFFFE0C0  }
0x1f0: {  	[tilespmem:s25], [sflag:$0x1] =	stream.linear.gather @!p1 [hbm4b:s29+s30], $0x1F40, $0x38;
	[tilespmem:$0x16760] =	vst v63  }
0x1f1: {  	s28 =	sadd.s32 @!p1 s2, s28;
	s26 =	sadd.s32 @!p1 $0x128E0, s26;
	s29 =	sadd.s32 $0xEA80, s24  }
0x1f2: {  	[tilespmem:s26], [sflag:$0x1] =	stream.linear.gather @!p1 [hbm4b:s28+s30], $0x1F40, $0x38;
	[tilespmem:$0x16760] =	vst v63  }
0x1f3: {  	v1 =	vld [tilespmem:s29+$0x10]  }
0x1f4: {  	v3 =	vld [tilespmem:s29+$0xFFFFFFE0];
	_ =	sdelay $0x2  }
0x1f5: {  	v2 =	vld [tilespmem:s29+$0xFFFFFFF0]  }
0x1f6: {  	v4 =	vld [tilespmem:s29+$0x0];
	v5 =	vand.u32 $0xFFFF, v1  }
0x1f7: {  	v8 =	vand.u32 $0xFFFF, v3;
	_ =	sdelay $0x1  }
0x1f8: {  	s24 =	sadd.s32 $0x12900, s24  }
0x1f9: {  	v11 =	vld [tilespmem:s24+$0x10];
	v7 =	vand.u32 $0xFFFF, v2  }
0x1fa: {  	v2 =	vshrl.u32 v2, $0x10;
	v9 =	vand.u32 $0xFFFF, v4;
	v4 =	vshrl.u32 v4, $0x10;
	v10 =	vld.idx.msk [tilespmem:v5+s3+$0x0], $0xffff  }
0x1fb: {  	v3 =	vshrl.u32 v3, $0x10;
	v1 =	vshrl.u32 v1, $0x10;
	v6 =	vadd.s32 $0x2710, v2;
	v16 =	vld.idx.msk [tilespmem:v8+s3+$0x0], $0xffff  }
0x1fc: {  	v19 =	vld [tilespmem:s24+$0xFFFFFFE0];
	v12 =	vadd.s32 $0x2710, v4;
	v13 =	vadd.s32 $0x2710, v3;
	v15 =	vadd.s32 $0x2710, v1  }
0x1fd: {  	s31 =	sadd.s32 $0x40, s29;
	v23 =	vld [tilespmem:s24+$0xFFFFFFF0];
	v17 =	vand.u32 $0x7, v1;
	v18 =	vand.u32 $0x7, v3;
	v22 =	vand.u32 $0x7, v2  }
0x1fe: {  	v47 =	vld [tilespmem:s31+$0xFFFFFFE0];
	v6 =	vand.u32 $0x1FFF8, v6;
	v15 =	vand.u32 $0x1FFF8, v15;
	v13 =	vand.u32 $0x1FFF8, v13  }
0x1ff: {  	v15 =	vor.u32 v17, v15;
	v24 =	vor.u32 v22, v6;
	v14 =	vld.idx.msk [tilespmem:v7+s3+$0x0], $0xffff;
	v21 =	vshll.u32 v10, $0x10  }
0x200: {  	v6 =	vld [tilespmem:s24+$0x0];
	v5 =	vadd.s32 $0x2710, v5;
	v26 =	vshll.u32 v16, $0x10;
	v21 =	vmul.f32 v21, v11  }
0x201: {  	v13 =	vor.u32 v18, v13;
	v20 =	vld.idx.msk [tilespmem:v9+s3+$0x0], $0xffff;
	v10 =	vand.u32 $0xFFFF0000, v10;
	v42 =	vmul.f32 v26, v19  }
0x202: {  	v25 =	vand.u32 $0x7, v4;
	v44 =	vadd.s32 $0x7530, v4;
	v10 =	vmul.f32 v10, v11;
	[tilespmem:v1+s14+$0x0] =	vst.idx.add.f32.msk $0xffff, v21  }
0x203: {  	v45 =	vadd.s32 $0x4E20, v1;
	v8 =	vadd.s32 $0x2710, v8;
	v16 =	vand.u32 $0xFFFF0000, v16;
	[tilespmem:v3+s14+$0x0] =	vst.idx.add.f32.msk $0xffff, v42  }
0x204: {  	v12 =	vand.u32 $0x1FFF8, v12;
	[tilespmem:v15+s14+$0x0] =	vst.idx.add.f32.msk $0xffff, v10;
	v10 =	vshll.u32 v14, $0x10;
	v15 =	vmul.f32 v16, v19  }
0x205: {  	v12 =	vor.u32 v25, v12;
	v7 =	vadd.s32 $0x2710, v7;
	v5 =	vld.idx.msk [tilespmem:v5+s3+$0x0], $0xffff;
	v10 =	vmul.f32 v10, v23  }
0x206: {  	v9 =	vadd.s32 $0x2710, v9;
	v43 =	vshll.u32 v20, $0x10;
	v14 =	vand.u32 $0xFFFF0000, v14;
	[tilespmem:v13+s14+$0x0] =	vst.idx.add.f32.msk $0xffff, v15  }
0x207: {  	v16 =	vadd.s32 $0x4E20, v3;
	v3 =	vadd.s32 $0x7530, v3;
	v14 =	vmul.f32 v14, v23;
	[tilespmem:v2+s14+$0x0] =	vst.idx.add.f32.msk $0xffff, v10  }
0x208: {  	v1 =	vadd.s32 $0x7530, v1;
	v3 =	vand.u32 $0x1FFF8, v3;
	v15 =	vmul.f32 v43, v6;
	v8 =	vld.idx.msk [tilespmem:v8+s3+$0x0], $0xffff  }
0x209: {  	v1 =	vand.u32 $0x1FFF8, v1;
	v13 =	vand.u32 $0xFFFF0000, v20;
	v3 =	vor.u32 v18, v3;
	[tilespmem:v24+s14+$0x0] =	vst.idx.add.f32.msk $0xffff, v14  }
0x20a: {  	v10 =	vadd.s32 $0x4E20, v2;
	v2 =	vadd.s32 $0x7530, v2;
	v13 =	vmul.f32 v13, v6;
	[tilespmem:v4+s14+$0x0] =	vst.idx.add.f32.msk $0xffff, v15  }
0x20b: {  	v14 =	vadd.s32 $0x4E20, v4;
	v4 =	vand.u32 $0x1FFF8, v45;
	v15 =	vand.u32 $0x1FFF8, v16;
	v16 =	vld [tilespmem:s31+$0x10]  }
0x20c: {  	v10 =	vand.u32 $0x1FFF8, v10;
	[tilespmem:v12+s14+$0x0] =	vst.idx.add.f32.msk $0xffff, v13;
	v4 =	vor.u32 v17, v4;
	v12 =	vor.u32 v17, v1  }
0x20d: {  	v1 =	vand.u32 $0x1FFF8, v2;
	v2 =	vand.u32 $0x1FFF8, v14;
	v14 =	vand.u32 $0x1FFF8, v44;
	v17 =	vld [tilespmem:s31+$0xFFFFFFF0]  }
0x20e: {  	v7 =	vld.idx.msk [tilespmem:v7+s3+$0x0], $0xffff;
	v15 =	vor.u32 v18, v15;
	v10 =	vor.u32 v22, v10;
	v13 =	vshll.u32 v5, $0x10  }
0x20f: {  	v5 =	vand.u32 $0xFFFF0000, v5;
	v18 =	vor.u32 v22, v1;
	v13 =	vmul.f32 v13, v11  }
0x210: {  	v1 =	vor.u32 v25, v2;
	v2 =	vor.u32 v25, v14;
	v9 =	vld.idx.msk [tilespmem:v9+s3+$0x0], $0xffff;
	v46 =	vshll.u32 v8, $0x10  }
0x211: {  	v5 =	vmul.f32 v5, v11;
	[tilespmem:v4+s14+$0x0] =	vst.idx.add.f32.msk $0xffff, v13;
	v4 =	vand.u32 $0xFFFF0000, v8;
	v8 =	vmul.f32 v46, v19  }
0x212: {  	v11 =	vld [tilespmem:s31+$0x0];
	v13 =	vshrl.u32 v17, $0x10;
	v14 =	vand.u32 $0xFFFF, v17;
	v17 =	vshrl.u32 v47, $0x10  }
0x213: {  	[tilespmem:v12+s14+$0x0] =	vst.idx.add.f32.msk $0xffff, v5;
	v5 =	vshll.u32 v7, $0x10;
	v12 =	vand.u32 $0xFFFF, v16;
	v4 =	vmul.f32 v4, v19  }
0x214: {  	v7 =	vand.u32 $0xFFFF0000, v7;
	v48 =	vand.u32 $0x7, v13;
	v16 =	vshrl.u32 v16, $0x10;
	[tilespmem:v15+s14+$0x0] =	vst.idx.add.f32.msk $0xffff, v8  }
0x215: {  	s24 =	sadd.s32 $0x40, s24;
	v28 =	vadd.s32 $0x2710, v14;
	v5 =	vmul.f32 v5, v23;
	[tilespmem:v3+s14+$0x0] =	vst.idx.add.f32.msk $0xffff, v4;
	v3 =	vand.u32 $0xFFFF, v47  }
0x216: {  	v52 =	vld [tilespmem:s24+$0x10];
	v30 =	vshll.u32 v9, $0x10;
	v31 =	vadd.s32 $0x4E20, v17;
	v9 =	vand.u32 $0xFFFF0000, v9  }
0x217: {  	v34 =	vadd.s32 $0x7530, v17;
	v55 =	vadd.s32 $0x4E20, v13;
	v56 =	vadd.s32 $0x7530, v13;
	[tilespmem:v10+s14+$0x0] =	vst.idx.add.f32.msk $0xffff, v5  }
0x218: {  	v7 =	vmul.f32 v7, v23;
	v15 =	vshrl.u32 v11, $0x10;
	v19 =	vand.u32 $0xFFFF, v11;
	v11 =	vld.idx.msk [tilespmem:v12+s3+$0x0], $0xffff  }
0x219: {  	v8 =	vadd.s32 $0x2710, v13;
	v4 =	vadd.s32 $0x2710, v15;
	v51 =	vand.u32 $0x7, v15;
	v50 =	vld.idx.msk [tilespmem:v14+s3+$0x0], $0xffff  }
0x21a: {  	v4 =	vand.u32 $0x1FFF8, v4;
	v53 =	vadd.s32 $0x2710, v3;
	v27 =	vld.idx.msk [tilespmem:v3+s3+$0x0], $0xffff;
	v3 =	vadd.s32 $0x2710, v16  }
0x21b: {  	v29 =	vand.u32 $0x7, v16;
	v54 =	vor.u32 v51, v4;
	v4 =	vld [tilespmem:s24+$0xFFFFFFE0];
	v3 =	vand.u32 $0x1FFF8, v3  }
0x21c: {  	v5 =	vadd.s32 $0x2710, v17;
	v10 =	vand.u32 $0x7, v17;
	[tilespmem:v18+s14+$0x0] =	vst.idx.add.f32.msk $0xffff, v7;
	v32 =	vor.u32 v29, v3  }
0x21d: {  	v5 =	vand.u32 $0x1FFF8, v5;
	v12 =	vadd.s32 $0x2710, v12;
	v14 =	vld.idx.msk [tilespmem:v19+s3+$0x0], $0xffff;
	v33 =	vshll.u32 v11, $0x10  }
0x21e: {  	v49 =	vor.u32 v10, v5;
	v5 =	vld [tilespmem:s24+$0xFFFFFFF0];
	v11 =	vand.u32 $0xFFFF0000, v11;
	v33 =	vmul.f32 v33, v52  }
0x21f: {  	v8 =	vand.u32 $0x1FFF8, v8;
	v58 =	vadd.s32 $0x4E20, v15;
	v3 =	vld [tilespmem:s24+$0x0];
	v11 =	vmul.f32 v11, v52  }
0x220: {  	v59 =	vadd.s32 $0x7530, v15;
	v8 =	vor.u32 v48, v8;
	v35 =	vshll.u32 v27, $0x10;
	[tilespmem:v16+s14+$0x0] =	vst.idx.add.f32.msk $0xffff, v33  }
0x221: {  	v7 =	vshll.u32 v50, $0x10;
	v27 =	vand.u32 $0xFFFF0000, v27;
	v35 =	vmul.f32 v35, v4;
	[tilespmem:v32+s14+$0x0] =	vst.idx.add.f32.msk $0xffff, v11  }
0x222: {  	v36 =	vshll.u32 v14, $0x10;
	v11 =	vand.u32 $0xFFFF0000, v14;
	v14 =	vmul.f32 v27, v4;
	v12 =	vld.idx.msk [tilespmem:v12+s3+$0x0], $0xffff  }
0x223: {  	v18 =	vand.u32 $0xFFFF0000, v50;
	v57 =	vmul.f32 v7, v5;
	v7 =	vmul.f32 v30, v6;
	[tilespmem:v17+s14+$0x0] =	vst.idx.add.f32.msk $0xffff, v35  }
0x224: {  	v6 =	vmul.f32 v9, v6;
	v17 =	vmul.f32 v18, v5;
	[tilespmem:v49+s14+$0x0] =	vst.idx.add.f32.msk $0xffff, v14;
	v14 =	vadd.s32 $0x4E20, v16  }
0x225: {  	[tilespmem:v13+s14+$0x0] =	vst.idx.add.f32.msk $0xffff, v57;
	v18 =	vmul.f32 v36, v3;
	v13 =	vand.u32 $0x1FFF8, v14;
	v14 =	vadd.s32 $0x7530, v16  }
0x226: {  	v11 =	vmul.f32 v11, v3;
	[tilespmem:v8+s14+$0x0] =	vst.idx.add.f32.msk $0xffff, v17;
	v8 =	vor.u32 v29, v13;
	v9 =	vand.u32 $0x1FFF8, v14  }
0x227: {  	v60 =	vand.u32 $0x1FFF8, v58;
	v63 =	vand.u32 $0x1FFF8, v59;
	[tilespmem:v15+s14+$0x0] =	vst.idx.add.f32.msk $0xffff, v18;
	v17 =	vor.u32 v29, v9  }
0x228: {  	v16 =	vand.u32 $0x1FFF8, v34;
	v13 =	vand.u32 $0x1FFF8, v31;
	[tilespmem:v54+s14+$0x0] =	vst.idx.add.f32.msk $0xffff, v11;
	v11 =	vshll.u32 v12, $0x10  }
0x229: {  	v15 =	vld.idx.msk [tilespmem:v53+s3+$0x0], $0xffff;
	v9 =	vand.u32 $0x1FFF8, v55;
	v61 =	vand.u32 $0xFFFF0000, v12;
	v62 =	vmul.f32 v11, v52  }
0x22a: {  	v14 =	vor.u32 v10, v13;
	v12 =	vor.u32 v10, v16;
	v16 =	vld.idx.msk [tilespmem:v28+s3+$0x0], $0xffff;
	v22 =	vmul.f32 v61, v52  }
0x22b: {  	v18 =	vand.u32 $0x1FFF8, v56;
	v13 =	vor.u32 v48, v9;
	v10 =	vor.u32 v51, v60;
	[tilespmem:v8+s14+$0x0] =	vst.idx.add.f32.msk $0xffff, v62  }
0x22c: {  	s25 =	simm.s32 $0x4;
	s26 =	sadd.s32 $0x40, s31;
	v9 =	vor.u32 v51, v63;
	v11 =	vor.u32 v48, v18;
	v8 =	vadd.s32 $0x2710, v19;
	[tilespmem:v17+s14+$0x0] =	vst.idx.add.f32.msk $0xffff, v22  }
.LBB2_32:
0x22d: {  	v17 =	vld [tilespmem:s26+$0x10]  }
0x22e: {  	v18 =	vld [tilespmem:s26+$0xFFFFFFF0]  }
0x22f: {  	s25 =	sadd.s32 $0x4, s25;
	v20 =	vshll.u32 v15, $0x10;
	v15 =	vand.u32 $0xFFFF0000, v15;
	v19 =	vld [tilespmem:s26+$0x0]  }
0x230: {  	p1 =	slt.u32 s25, $0x1F0;
	v20 =	vmul.f32 v20, v4;
	v22 =	vshll.u32 v16, $0x10;
	v16 =	vand.u32 $0xFFFF0000, v16;
	v21 =	vld [tilespmem:s26+$0xFFFFFFE0]  }
0x231: {  	v4 =	vmul.f32 v15, v4;
	v15 =	vmul.f32 v22, v5;
	v22 =	vld.idx.msk [tilespmem:v8+s3+$0x0], $0xffff  }
0x232: {  	v5 =	vmul.f32 v16, v5;
	v23 =	vand.u32 $0xFFFF, v17;
	[tilespmem:v14+s14+$0x0] =	vst.idx.add.f32.msk $0xffff, v20  }
0x233: {  	v14 =	vshrl.u32 v18, $0x10;
	v8 =	vand.u32 $0xFFFF, v18;
	[tilespmem:v12+s14+$0x0] =	vst.idx.add.f32.msk $0xffff, v4  }
0x234: {  	v4 =	vadd.s32 $0x2710, v14;
	v12 =	vshrl.u32 v19, $0x10;
	v16 =	vand.u32 $0xFFFF, v19;
	[tilespmem:v13+s14+$0x0] =	vst.idx.add.f32.msk $0xffff, v15  }
0x235: {  	v13 =	vshrl.u32 v21, $0x10;
	v15 =	vand.u32 $0xFFFF, v21;
	v18 =	vadd.s32 $0x2710, v12;
	[tilespmem:v11+s14+$0x0] =	vst.idx.add.f32.msk $0xffff, v5  }
0x236: {  	v4 =	vand.u32 $0x1FFF8, v4;
	v5 =	vadd.s32 $0x2710, v13;
	v11 =	vand.u32 $0x1FFF8, v18;
	[tilespmem:v1+s14+$0x0] =	vst.idx.add.f32.msk $0xffff, v7;
	v1 =	vmovc v10  }
0x237: {  	v10 =	vand.u32 $0x7, v13;
	v18 =	vand.u32 $0x7, v14;
	v5 =	vand.u32 $0x1FFF8, v5;
	v7 =	vld.idx.msk [tilespmem:v23+s3+$0x0], $0xffff  }
0x238: {  	s24 =	sadd.s32 $0x40, s24;
	v24 =	vand.u32 $0x7, v12;
	v21 =	vor.u32 v18, v4;
	v19 =	vor.u32 v10, v5;
	v20 =	vld.idx.msk [tilespmem:v8+s3+$0x0], $0xffff  }
0x239: {  	v17 =	vshrl.u32 v17, $0x10;
	v25 =	vadd.s32 $0x2710, v15;
	v11 =	vor.u32 v24, v11;
	v26 =	vld [tilespmem:s24+$0x10]  }
0x23a: {  	v27 =	vadd.s32 $0x2710, v8;
	v4 =	vadd.s32 $0x2710, v17;
	v8 =	vadd.s32 $0x2710, v16;
	v15 =	vld.idx.msk [tilespmem:v15+s3+$0x0], $0xffff  }
0x23b: {  	v28 =	vand.u32 $0x7, v17;
	v29 =	vshll.u32 v22, $0x10;
	v5 =	vand.u32 $0x1FFF8, v4;
	v16 =	vld.idx.msk [tilespmem:v16+s3+$0x0], $0xffff  }
0x23c: {  	v30 =	vadd.s32 $0x4E20, v13;
	v22 =	vand.u32 $0xFFFF0000, v22;
	v31 =	vor.u32 v28, v5;
	v4 =	vld [tilespmem:s24+$0xFFFFFFE0]  }
0x23d: {  	v32 =	vadd.s32 $0x7530, v13;
	v23 =	vadd.s32 $0x2710, v23;
	v33 =	vshll.u32 v7, $0x10;
	v5 =	vld [tilespmem:s24+$0xFFFFFFF0]  }
0x23e: {  	v7 =	vand.u32 $0xFFFF0000, v7;
	v34 =	vshll.u32 v20, $0x10;
	v35 =	vld [tilespmem:s24+$0x0];
	v33 =	vmul.f32 v33, v26  }
0x23f: {  	v36 =	vadd.s32 $0x4E20, v14;
	v20 =	vand.u32 $0xFFFF0000, v20;
	v7 =	vmul.f32 v7, v26;
	[tilespmem:v2+s14+$0x0] =	vst.idx.add.f32.msk $0xffff, v6;
	v2 =	vmovc v9  }
0x240: {  	v6 =	vshll.u32 v15, $0x10;
	v9 =	vand.u32 $0xFFFF0000, v15;
	v15 =	vadd.s32 $0x7530, v14;
	[tilespmem:v17+s14+$0x0] =	vst.idx.add.f32.msk $0xffff, v33  }
0x241: {  	v33 =	vshll.u32 v16, $0x10;
	v16 =	vand.u32 $0xFFFF0000, v16;
	v6 =	vmul.f32 v6, v4;
	[tilespmem:v31+s14+$0x0] =	vst.idx.add.f32.msk $0xffff, v7  }
0x242: {  	v7 =	vmul.f32 v9, v4;
	v31 =	vadd.s32 $0x4E20, v12;
	v9 =	vmul.f32 v34, v5;
	v23 =	vld.idx.msk [tilespmem:v23+s3+$0x0], $0xffff  }
0x243: {  	[tilespmem:v13+s14+$0x0] =	vst.idx.add.f32.msk $0xffff, v6;
	v13 =	vmul.f32 v20, v5;
	v20 =	vmul.f32 v33, v35;
	v33 =	vadd.s32 $0x7530, v12  }
0x244: {  	v16 =	vmul.f32 v16, v35;
	v6 =	vadd.s32 $0x4E20, v17;
	[tilespmem:v19+s14+$0x0] =	vst.idx.add.f32.msk $0xffff, v7;
	v7 =	vmul.f32 v29, v3  }
0x245: {  	[tilespmem:v14+s14+$0x0] =	vst.idx.add.f32.msk $0xffff, v9;
	v9 =	vand.u32 $0x1FFF8, v6;
	v14 =	vadd.s32 $0x7530, v17;
	v6 =	vmul.f32 v22, v3;
	v3 =	vmovc v35  }
0x246: {  	v17 =	vand.u32 $0x1FFF8, v30;
	[tilespmem:v21+s14+$0x0] =	vst.idx.add.f32.msk $0xffff, v13;
	v9 =	vor.u32 v28, v9;
	v13 =	vand.u32 $0x1FFF8, v14  }
0x247: {  	v19 =	vand.u32 $0x1FFF8, v32;
	v21 =	vand.u32 $0x1FFF8, v36;
	[tilespmem:v12+s14+$0x0] =	vst.idx.add.f32.msk $0xffff, v20;
	v20 =	vor.u32 v28, v13  }
.Ltmp13:
0x248: {  	v22 =	vand.u32 $0x1FFF8, v15;
	v28 =	vand.u32 $0x1FFF8, v31;
	[tilespmem:v11+s14+$0x0] =	vst.idx.add.f32.msk $0xffff, v16;
	v11 =	vshll.u32 v23, $0x10;
	(pc) =	sbr.rel @p1 .LBB2_32-.Ltmp13, $4  }
0x249: {  	v13 =	vand.u32 $0xFFFF0000, v23;
	v15 =	vld.idx.msk [tilespmem:v25+s3+$0x0], $0xffff;
	v25 =	vand.u32 $0x1FFF8, v33;
	v23 =	vmul.f32 v11, v26  }
0x24a: {  	v14 =	vor.u32 v10, v17;
	v12 =	vor.u32 v10, v19;
	v17 =	vmul.f32 v13, v26;
	v16 =	vld.idx.msk [tilespmem:v27+s3+$0x0], $0xffff  }
0x24b: {  	v13 =	vor.u32 v18, v21;
	v11 =	vor.u32 v18, v22;
	[tilespmem:v9+s14+$0x0] =	vst.idx.add.f32.msk $0xffff, v23  }
0x24c: {  	s26 =	sadd.s32 $0x40, s26;
	v10 =	vor.u32 v24, v28;
	v9 =	vor.u32 v24, v25;
	[tilespmem:v20+s14+$0x0] =	vst.idx.add.f32.msk $0xffff, v17  }
0x24d: {  	_ =	sdelay $0x3  }
0x24e: {  	v8 =	vld.idx.msk [tilespmem:v8+s3+$0x0], $0xffff  }
0x24f: {  	v17 =	vshll.u32 v15, $0x10  }
0x250: {  	[tilespmem:v1+s14+$0x0] =	vst.idx.add.f32.msk $0xffff, v7;
	v58 =	vand.u32 $0xFFFF0000, v15;
	v17 =	vmul.f32 v17, v4  }
0x251: {  	[tilespmem:v2+s14+$0x0] =	vst.idx.add.f32.msk $0xffff, v6;
	v18 =	vshll.u32 v16, $0x10;
	v59 =	vmul.f32 v58, v4  }
0x252: {  	v60 =	vand.u32 $0xFFFF0000, v16;
	v61 =	vmul.f32 v18, v5;
	[tilespmem:v14+s14+$0x0] =	vst.idx.add.f32.msk $0xffff, v17  }
0x253: {  	v62 =	vmul.f32 v60, v5;
	[tilespmem:v12+s14+$0x0] =	vst.idx.add.f32.msk $0xffff, v59;
	v63 =	vshll.u32 v8, $0x10  }
0x254: {  	[tilespmem:v13+s14+$0x0] =	vst.idx.add.f32.msk $0xffff, v61;
	v1 =	vand.u32 $0xFFFF0000, v8;
	v4 =	vmul.f32 v63, v3  }
0x255: {  	[tilespmem:v11+s14+$0x0] =	vst.idx.add.f32.msk $0xffff, v62;
	v1 =	vmul.f32 v1, v3  }
0x256: {  	[tilespmem:v10+s14+$0x0] =	vst.idx.add.f32.msk $0xffff, v4  }
0x257: {  	[tilespmem:v9+s14+$0x0] =	vst.idx.add.f32.msk $0xffff, v1  }
0x258: {  	p1 =	seq.s32 s23, $0x28  }
.Ltmp14:
0x259: {  	_ = 	snop;
	(pc) =	sbr.rel @!p1 .LBB2_31-.Ltmp14, $2  }
0x25a: {  	_ =	sdelay $0x2  }
0x25b: {  	p0 =	por !p0, !p0  }
0x25c: {  	[hbm4b:s9+s3] =	stream.linear.scatter [tilespmem:s14], [sflag:$0x2], $0x2710, $0x38;
	[tilespmem:$0x16760] =	vst v63  }
0x25d: {  	_ =	swait.ge [sflag:s15], $0x2710  }
0x25e: {  	[sflag:s15] =	ssyncset.done $0x0  }
0x25f: {  	[sflag:s15] =	ssyncadd.s32 $0xFFFFD8F0  }
0x260: {  	[hbm4b:s10+s3] =	stream.linear.scatter [tilespmem:s16], [sflag:$0x2], $0x2710, $0x38;
	[tilespmem:$0x16760] =	vst v63  }
0x261: {  	_ =	swait.ge [sflag:s15], $0x2710  }
0x262: {  	[sflag:s15] =	ssyncset.done $0x0  }
0x263: {  	[sflag:s15] =	ssyncadd.s32 $0xFFFFD8F0  }
0x264: {  	[hbm4b:s11+s3] =	stream.linear.scatter [tilespmem:s17], [sflag:$0x2], $0x2710, $0x38;
	[tilespmem:$0x16760] =	vst v63  }
0x265: {  	s22 =	sadd.s32 $0x1, s22;
	_ =	swait.ge [sflag:s15], $0x2710  }
0x266: {  	p0 =	sne.s32 s22, s13;
	[sflag:s15] =	ssyncset.done $0x0  }
.Ltmp15:
0x267: {  	[sflag:s15] =	ssyncadd.s32 $0xFFFFD8F0;
	(pc) =	sbr.rel @p0 .LBB2_1-.Ltmp15, $4  }
0x268: {  	[hbm4b:s12+s3] =	stream.linear.scatter [tilespmem:s18], [sflag:$0x2], $0x2710, $0x38;
	[tilespmem:$0x16760] =	vst v63  }
0x269: {  	_ =	swait.ge [sflag:s15], $0x2710  }
0x26a: {  	[sflag:s15] =	ssyncset.done $0x0  }
0x26b: {  	[sflag:s15] =	ssyncadd.s32 $0xFFFFD8F0  }
0x26c: {  	_ =	sfence.sel $0x180000  }
0x26d: {  	[bflag:$0x0] =	sbarrier.arrive $0xFFFF  }
0x26e: {  	p0 =	sne.s32 s1, $0x0;
	_ =	strace $0x90000047  }
0x26f: {  	s0 =	sadd.s32 @!p0 $0x100000, s0;
	[bflag:$0x2] =	sbarrier.arrive $0xFFFF  }
0x270: {  	[sflag:s0] =	ssyncadd.tile.s32 @!p0 $0x1;
	_ =	shalt  }
.Lfunc_end2:
_tile_overlayer_lowered:
.L_overlay_start_2:
0x271: {  	(tag) =	ssettag $0x2  }
0x272: {  	s0 =	rddreg [dreg:$0x0];
	s2 =	stileid.u32  }
0x273: {  	s1 =	rddreg [dreg:$0x1];
	p0 =	sne.s32 s2, $0x0  }
0x274: {  	s3 =	rddreg [dreg:$0x2];
	[bflag:$0x3] =	sbarrier.arrive $0xFFFF;
	s2 =	simm.s32 @!p0 $0x1C02  }
0x275: {  	[timem:s3], [sflag:s2] =	dma.local @!p0 [hbm:s0], s1  }
0x276: {  	s0 =	simm.s32 @!p0 $0x2  }
0x277: {  	_ =	swait.ge @!p0 [sflag:s0], s1  }
0x278: {  	s1 =	ssub.s32 @!p0 $0x0, s1;
	[sflag:s0] =	ssyncset.done @!p0 $0x0  }
0x279: {  	[sflag:s0] =	ssyncadd.s32 @!p0 s1  }
0x27a: {  	[bflag:$0x3] =	sbarrier.arrive $0xFFFF  }
0x27b: {  	_ =	shalt  }

</sc_bundles>
